<compile_context>
chip_gen: v7x
topology: tpu7x:2x2x1
jax: 0.10.2.dev20260603
libtpu: 0.0.44.dev20260713+nightly
codegen_flags: <defaults>
</compile_context>

<pallas_src>
import jax
import jax.numpy as jnp
from jax import lax
from jax.experimental import pallas as pl
from jax.experimental.pallas import tpu as pltpu
from jax.experimental.pallas import tpu_sc as plsc

N = 10000
E = 320000
D = 128

NC = 2
NS = 16
NW = NC * NS
EPW = E // NW
CHUNK = 125
NCHUNKS = EPW // CHUNK
WB = 80
NWB = N // WB
NH = 2
HC = NCHUNKS // NH


def _fill(buf, value):
    @pl.loop(0, CHUNK)
    def _(i):
        for j in range(D // 16):
            buf[i, pl.ds(j * 16, 16)] = jnp.full((16,), value, jnp.float32)


def _writeback(acc_sh, out_hbm, c, s, rows_a, rows_b, sg_a, sg_b):
    wa = rows_a.at[pl.ds(0, WB)]
    wb = rows_b.at[pl.ds(0, WB)]

    @pl.loop(s, NWB, step=2 * NS)
    def _(t):
        sl = pl.ds(t * WB, WB)
        pltpu.sync_copy(acc_sh.at[sl], wa)
        pltpu.async_copy(wa, out_hbm.at[c, sl], sg_a)

        @pl.when(t + NS < NWB)
        def _():
            sl2 = pl.ds((t + NS) * WB, WB)
            pltpu.sync_copy(acc_sh.at[sl2], wb)
            pltpu.async_copy(wb, out_hbm.at[c, sl2], sg_b)
            pltpu.make_async_copy(wb, out_hbm.at[c, sl2], sg_b).wait()

        pltpu.make_async_copy(wa, out_hbm.at[c, sl], sg_a).wait()


def _agg_body(x_hbm, eidx_hbm, psum_hbm, pcnt_hbm,
              src_i, dst_i, rows_a, rows_b, acc_sh, sg_a, sg_b):
    c = lax.axis_index("c")
    s = lax.axis_index("s")
    wid = c * NS + s

    _fill(rows_b, 0.0)

    @pl.loop(s, NWB, step=NS)
    def _(t):
        pltpu.sync_copy(rows_b.at[pl.ds(0, WB)],
                        acc_sh.at[pl.ds(t * WB, WB)])

    plsc.subcore_barrier()

    pltpu.sync_copy(eidx_hbm.at[1, wid], dst_i)

    def gather(j, buf, sem):
        pltpu.async_copy(x_hbm.at[src_i.at[j]], buf, sem)

    def gwait(j, buf, sem):
        pltpu.make_async_copy(x_hbm.at[src_i.at[j]], buf, sem).wait()

    bufs = [(rows_a, sg_a), (rows_b, sg_b)]
    NB = len(bufs)

    for h in range(NH):
        d0 = h * HC
        pltpu.sync_copy(eidx_hbm.at[0, wid, pl.ds(d0, HC)], src_i)
        for k in range(NB):
            gather(k, *bufs[k])

        @pl.loop(0, HC // NB - 1)
        def _(jg):
            j = jg * NB
            for k in range(NB):
                buf, sem = bufs[k]
                gwait(j + k, buf, sem)
                pltpu.sync_copy(buf, acc_sh.at[dst_i.at[d0 + j + k]],
                                add=True)
                gather(j + NB + k, buf, sem)

        jl = HC - NB
        for k in range(NB):
            buf, sem = bufs[k]
            gwait(jl + k, buf, sem)
            pltpu.sync_copy(buf, acc_sh.at[dst_i.at[d0 + jl + k]],
                            add=True)

    plsc.subcore_barrier()

    _writeback(acc_sh, psum_hbm, c, s, rows_a, rows_b, sg_a, sg_b)

    plsc.subcore_barrier()

    _fill(rows_a, 1.0)

    @pl.loop(0, NCHUNKS)
    def _(j):
        pltpu.sync_copy(rows_a, acc_sh.at[dst_i.at[j]], add=True)

    plsc.subcore_barrier()

    _writeback(acc_sh, pcnt_hbm, c, s, rows_a, rows_b, sg_a, sg_b)


_sc_agg = pl.kernel(
    _agg_body,
    out_type=[
        jax.ShapeDtypeStruct((NC, N, D), jnp.float32),
        jax.ShapeDtypeStruct((NC, N, D), jnp.float32),
    ],
    mesh=plsc.VectorSubcoreMesh(core_axis_name="c", subcore_axis_name="s"),
    scratch_types=[
        pltpu.VMEM((HC, CHUNK), jnp.int32),
        pltpu.VMEM((NCHUNKS, CHUNK), jnp.int32),
        pltpu.VMEM((CHUNK, D), jnp.float32),
        pltpu.VMEM((CHUNK, D), jnp.float32),
        pltpu.VMEM_SHARED((N, D), jnp.float32),
        pltpu.SemaphoreType.DMA,
        pltpu.SemaphoreType.DMA,
    ],
)


BN = 5000


def _tc_body(psum_ref, pcnt_ref, x_ref, wl_ref, bl_ref, wr_ref, out_ref):
    ssum = psum_ref[0] + psum_ref[1]
    cnt = (pcnt_ref[0][:, 0:1] + pcnt_ref[1][:, 0:1]) - ssum[:, 0:1]
    mean = ssum / jnp.maximum(cnt, 1.0)
    out = (jnp.dot(mean, wl_ref[:], preferred_element_type=jnp.float32)
           + bl_ref[:]
           + jnp.dot(x_ref[:], wr_ref[:], preferred_element_type=jnp.float32))
    nrm = jnp.sqrt(jnp.sum(out * out, axis=1, keepdims=True))
    out_ref[:] = out / jnp.maximum(nrm, 1e-12)


def _tc_dense(psum, pcnt, x, W_l, b_l, W_r):
    return pl.pallas_call(
        _tc_body,
        grid=(N // BN,),
        in_specs=[
            pl.BlockSpec((NC, BN, D), lambda i: (0, i, 0)),
            pl.BlockSpec((NC, BN, D), lambda i: (0, i, 0)),
            pl.BlockSpec((BN, D), lambda i: (i, 0)),
            pl.BlockSpec((D, D), lambda i: (0, 0)),
            pl.BlockSpec((1, D), lambda i: (0, 0)),
            pl.BlockSpec((D, D), lambda i: (0, 0)),
        ],
        out_specs=pl.BlockSpec((BN, D), lambda i: (i, 0)),
        out_shape=jax.ShapeDtypeStruct((N, D), jnp.float32),
    )(psum, pcnt, x, W_l, b_l, W_r)


def kernel(x, edge_index, W_l, b_l, W_r):
    eidx = edge_index.reshape(2, NW, NCHUNKS, CHUNK)
    psum, pcnt = _sc_agg(x, eidx)
    return _tc_dense(psum, pcnt, x, W_l, b_l.reshape(1, D), W_r)

# --- scband reference (transcript-rebuilt; emitter-appended) ---
"""Pipeline reference for scband-bipartite-sageconv-61409442399048 (READ-ONLY COPY).

The authoritative reference and input builder live on the scoring server;
editing this copy changes nothing except your own understanding.
"""

import jax, jax.numpy as jnp
import numpy as np

N = 10000
E = 320000
D_IN = 128
D_OUT = 128


def setup_inputs(seed: int = 0) -> dict:
    key = jax.random.key(seed)
    k1, k2, k3, k4, k5 = jax.random.split(key, 5)
    x = jax.random.normal(k1, (N, D_IN), dtype=jnp.float32)
    edge_index = jax.random.randint(k2, (2, E), 0, N, dtype=jnp.int32)
    # SAGEConv params: lin_l (with bias) applied to aggregated neighbors,
    # lin_r (no bias) applied to root nodes.
    scale = 1.0 / np.sqrt(D_IN)
    W_l = jax.random.uniform(k3, (D_IN, D_OUT), dtype=jnp.float32, minval=-scale, maxval=scale)
    b_l = jax.random.uniform(k4, (D_OUT,), dtype=jnp.float32, minval=-scale, maxval=scale)
    W_r = jax.random.uniform(k5, (D_IN, D_OUT), dtype=jnp.float32, minval=-scale, maxval=scale)
    return {"x": x, "edge_index": edge_index, "W_l": W_l, "b_l": b_l, "W_r": W_r}


def reference(x, edge_index, W_l, b_l, W_r):
    # PyG SAGEConv(normalize=True), aggr='mean', root_weight=True
    src = edge_index[0]
    dst = edge_index[1]
    msgs = jnp.take(x, src, axis=0)                          # gather source features
    summed = jax.ops.segment_sum(msgs, dst, num_segments=N)  # scatter-add by dst
    cnt = jax.ops.segment_sum(jnp.ones((E,), dtype=x.dtype), dst, num_segments=N)
    mean_aggr = summed / jnp.clip(cnt, 1.0)[:, None]
    out = mean_aggr @ W_l + b_l + x @ W_r
    # F.normalize(out, p=2, dim=-1), eps=1e-12
    norm = jnp.linalg.norm(out, axis=-1, keepdims=True)
    out = out / jnp.clip(norm, 1e-12)
    return out

if __name__ == "__main__":
    import jax
    _d = setup_inputs()
    print(jax.jit(kernel)(*tuple(_d.values())))

</pallas_src>

<mosaic_0001>
#map = affine_map<(d0, d1) -> (0, 0)>
#map1 = affine_map<(d0, d1) -> (0, 0, 0, 0)>
#map2 = affine_map<(d0, d1) -> (0, 0, 0)>
module attributes {stable_mosaic.version = 14 : i64} {
  func.func @_agg_body(%arg0: i32, %arg1: i32, %arg2: memref<10000x128xf32, #tpu.memory_space<hbm>>, %arg3: memref<2x32x80x125xi32, #tpu.memory_space<hbm>>, %arg4: memref<2x10000x128xf32, #tpu.memory_space<hbm>>, %arg5: memref<2x10000x128xf32, #tpu.memory_space<hbm>>, %arg6: memref<40x125xi32, #tpu.memory_space<vmem>>, %arg7: memref<80x125xi32, #tpu.memory_space<vmem>>, %arg8: memref<125x128xf32, #tpu.memory_space<vmem>>, %arg9: memref<125x128xf32, #tpu.memory_space<vmem>>, %arg10: memref<10000x128xf32, #tpu.memory_space<vmem_shared>>, %arg11: memref<!tpu.dma_semaphore, #tpu.memory_space<semaphore_mem>>, %arg12: memref<!tpu.dma_semaphore, #tpu.memory_space<semaphore_mem>>) attributes {dimension_semantics = [#tpu.dimension_semantics<core_parallel>, #tpu.dimension_semantics<subcore_parallel>], iteration_bounds = array<i64: 2, 16>, scalar_prefetch = 0 : i64, scratch_operands = 7 : i64, tpu.core_type = #tpu.core_type<sc_vector_subcore>, window_params = [{transform_indices = #map}, {transform_indices = #map1}, {transform_indices = #map2}, {transform_indices = #map2}]} {
    %mul3A = arith.constant 16 : i32
    %mul3A_0 = arith.muli %arg0, %mul3A : i32
    %add3A = arith.addi %mul3A_0, %arg1 : i32
    %scan3A = arith.constant 0 : i32
    %scan3A_1 = arith.constant 125 : i32
    %scan3A_2 = arith.addi %scan3A, %scan3A_1 : i32
    %scan3A_3 = arith.constant 1 : i32
    scf.for %scan3A_139 = %scan3A to %scan3A_2 step %scan3A_3  : i32 {
      %mul3A_140 = arith.constant 1 : i32
      %mul3A_141 = arith.muli %scan3A_139, %mul3A_140 : i32
      %add3A_142 = arith.constant 0 : i32
      %add3A_143 = arith.addi %add3A_142, %mul3A_141 : i32
      %broadcast_in_dim3A = arith.constant 0.000000e+00 : f32
      %broadcast_in_dim3A_144 = vector.broadcast %broadcast_in_dim3A : f32 to vector<16xf32>
      %swap3A = arith.index_cast %add3A_143 : i32 to index
      %swap3A_145 = arith.constant 0 : index
      %swap3A_146 = tpu.vector_load %arg9[%swap3A, %swap3A_145] {strides = array<i32>} : memref<125x128xf32, #tpu.memory_space<vmem>>, vector<1x16xf32>,
      %swap3A_147 = vector.shape_cast %swap3A_146 : vector<1x16xf32> to vector<16xf32>
      %swap3A_148 = vector.shape_cast %broadcast_in_dim3A_144 : vector<16xf32> to vector<1x16xf32>
      tpu.vector_store %arg9[%swap3A, %swap3A_145], %swap3A_148 {strides = array<i32>} : memref<125x128xf32, #tpu.memory_space<vmem>>, vector<1x16xf32>,
      %broadcast_in_dim3A_149 = arith.constant 0.000000e+00 : f32
      %broadcast_in_dim3A_150 = vector.broadcast %broadcast_in_dim3A_149 : f32 to vector<16xf32>
      %swap3A_151 = arith.index_cast %add3A_143 : i32 to index
      %swap3A_152 = arith.constant 16 : index
      %swap3A_153 = tpu.vector_load %arg9[%swap3A_151, %swap3A_152] {strides = array<i32>} : memref<125x128xf32, #tpu.memory_space<vmem>>, vector<1x16xf32>,
      %swap3A_154 = vector.shape_cast %swap3A_153 : vector<1x16xf32> to vector<16xf32>
      %swap3A_155 = vector.shape_cast %broadcast_in_dim3A_150 : vector<16xf32> to vector<1x16xf32>
      tpu.vector_store %arg9[%swap3A_151, %swap3A_152], %swap3A_155 {strides = array<i32>} : memref<125x128xf32, #tpu.memory_space<vmem>>, vector<1x16xf32>,
      %broadcast_in_dim3A_156 = arith.constant 0.000000e+00 : f32
      %broadcast_in_dim3A_157 = vector.broadcast %broadcast_in_dim3A_156 : f32 to vector<16xf32>
      %swap3A_158 = arith.index_cast %add3A_143 : i32 to index
      %swap3A_159 = arith.constant 32 : index
      %swap3A_160 = tpu.vector_load %arg9[%swap3A_158, %swap3A_159] {strides = array<i32>} : memref<125x128xf32, #tpu.memory_space<vmem>>, vector<1x16xf32>,
      %swap3A_161 = vector.shape_cast %swap3A_160 : vector<1x16xf32> to vector<16xf32>
      %swap3A_162 = vector.shape_cast %broadcast_in_dim3A_157 : vector<16xf32> to vector<1x16xf32>
      tpu.vector_store %arg9[%swap3A_158, %swap3A_159], %swap3A_162 {strides = array<i32>} : memref<125x128xf32, #tpu.memory_space<vmem>>, vector<1x16xf32>,
      %broadcast_in_dim3A_163 = arith.constant 0.000000e+00 : f32
      %broadcast_in_dim3A_164 = vector.broadcast %broadcast_in_dim3A_163 : f32 to vector<16xf32>
      %swap3A_165 = arith.index_cast %add3A_143 : i32 to index
      %swap3A_166 = arith.constant 48 : index
      %swap3A_167 = tpu.vector_load %arg9[%swap3A_165, %swap3A_166] {strides = array<i32>} : memref<125x128xf32, #tpu.memory_space<vmem>>, vector<1x16xf32>,
      %swap3A_168 = vector.shape_cast %swap3A_167 : vector<1x16xf32> to vector<16xf32>
      %swap3A_169 = vector.shape_cast %broadcast_in_dim3A_164 : vector<16xf32> to vector<1x16xf32>
      tpu.vector_store %arg9[%swap3A_165, %swap3A_166], %swap3A_169 {strides = array<i32>} : memref<125x128xf32, #tpu.memory_space<vmem>>, vector<1x16xf32>,
      %broadcast_in_dim3A_170 = arith.constant 0.000000e+00 : f32
      %broadcast_in_dim3A_171 = vector.broadcast %broadcast_in_dim3A_170 : f32 to vector<16xf32>
      %swap3A_172 = arith.index_cast %add3A_143 : i32 to index
      %swap3A_173 = arith.constant 64 : index
      %swap3A_174 = tpu.vector_load %arg9[%swap3A_172, %swap3A_173] {strides = array<i32>} : memref<125x128xf32, #tpu.memory_space<vmem>>, vector<1x16xf32>,
      %swap3A_175 = vector.shape_cast %swap3A_174 : vector<1x16xf32> to vector<16xf32>
      %swap3A_176 = vector.shape_cast %broadcast_in_dim3A_171 : vector<16xf32> to vector<1x16xf32>
      tpu.vector_store %arg9[%swap3A_172, %swap3A_173], %swap3A_176 {strides = array<i32>} : memref<125x128xf32, #tpu.memory_space<vmem>>, vector<1x16xf32>,
      %broadcast_in_dim3A_177 = arith.constant 0.000000e+00 : f32
      %broadcast_in_dim3A_178 = vector.broadcast %broadcast_in_dim3A_177 : f32 to vector<16xf32>
      %swap3A_179 = arith.index_cast %add3A_143 : i32 to index
      %swap3A_180 = arith.constant 80 : index
      %swap3A_181 = tpu.vector_load %arg9[%swap3A_179, %swap3A_180] {strides = array<i32>} : memref<125x128xf32, #tpu.memory_space<vmem>>, vector<1x16xf32>,
      %swap3A_182 = vector.shape_cast %swap3A_181 : vector<1x16xf32> to vector<16xf32>
      %swap3A_183 = vector.shape_cast %broadcast_in_dim3A_178 : vector<16xf32> to vector<1x16xf32>
      tpu.vector_store %arg9[%swap3A_179, %swap3A_180], %swap3A_183 {strides = array<i32>} : memref<125x128xf32, #tpu.memory_space<vmem>>, vector<1x16xf32>,
      %broadcast_in_dim3A_184 = arith.constant 0.000000e+00 : f32
      %broadcast_in_dim3A_185 = vector.broadcast %broadcast_in_dim3A_184 : f32 to vector<16xf32>
      %swap3A_186 = arith.index_cast %add3A_143 : i32 to index
      %swap3A_187 = arith.constant 96 : index
      %swap3A_188 = tpu.vector_load %arg9[%swap3A_186, %swap3A_187] {strides = array<i32>} : memref<125x128xf32, #tpu.memory_space<vmem>>, vector<1x16xf32>,
      %swap3A_189 = vector.shape_cast %swap3A_188 : vector<1x16xf32> to vector<16xf32>
      %swap3A_190 = vector.shape_cast %broadcast_in_dim3A_185 : vector<16xf32> to vector<1x16xf32>
      tpu.vector_store %arg9[%swap3A_186, %swap3A_187], %swap3A_190 {strides = array<i32>} : memref<125x128xf32, #tpu.memory_space<vmem>>, vector<1x16xf32>,
      %broadcast_in_dim3A_191 = arith.constant 0.000000e+00 : f32
      %broadcast_in_dim3A_192 = vector.broadcast %broadcast_in_dim3A_191 : f32 to vector<16xf32>
      %swap3A_193 = arith.index_cast %add3A_143 : i32 to index
      %swap3A_194 = arith.constant 112 : index
      %swap3A_195 = tpu.vector_load %arg9[%swap3A_193, %swap3A_194] {strides = array<i32>} : memref<125x128xf32, #tpu.memory_space<vmem>>, vector<1x16xf32>,
      %swap3A_196 = vector.shape_cast %swap3A_195 : vector<1x16xf32> to vector<16xf32>
      %swap3A_197 = vector.shape_cast %broadcast_in_dim3A_192 : vector<16xf32> to vector<1x16xf32>
      tpu.vector_store %arg9[%swap3A_193, %swap3A_194], %swap3A_197 {strides = array<i32>} : memref<125x128xf32, #tpu.memory_space<vmem>>, vector<1x16xf32>,
    }
    %scan3A_4 = arith.constant 125 : i32
    %sub3A = arith.constant 125 : i32
    %sub3A_5 = arith.subi %sub3A, %arg1 : i32
    %sub3A_6 = arith.constant 16 : i32
    %sub3A_7 = arith.constant 1 : i32
    %sub3A_8 = arith.subi %sub3A_6, %sub3A_7 : i32
    %add3A_9 = arith.addi %sub3A_5, %sub3A_8 : i32
    %div3A = arith.constant 16 : i32
    %div3A_10 = arith.divsi %add3A_9, %div3A : i32
    %while3A = arith.constant 16 : i32
    %while3A_11 = arith.constant 0 : i32
    %while3A_12 = arith.subi %div3A_10, %while3A_11 : i32
    %while3A_13 = arith.addi %while3A_11, %while3A_12 : i32
    %while3A_14 = arith.constant 1 : i32
    %while3A_15 = arith.divsi %while3A_12, %while3A_14 : i32
    %while3A_16 = arith.muli %while3A_15, %while3A_14 : i32
    %while3A_17 = arith.addi %while3A_11, %while3A_16 : i32
    %while3A_18 = arith.constant 1 : i32
    scf.for %while3A_139 = %while3A_11 to %while3A_17 step %while3A_18  : i32 {
      %mul3A_140 = arith.muli %while3A_139, %while3A : i32
      %add3A_141 = arith.addi %arg1, %mul3A_140 : i32
      %mul3A_142 = arith.constant 80 : i32
      %mul3A_143 = arith.muli %add3A_141, %mul3A_142 : i32
      "tpu.region"() ({
        %run_scoped3A_144 = tpu.sem_alloc : memref<!tpu.dma_semaphore, #tpu.memory_space<semaphore_mem>>
        %dma_start3A_145 = arith.constant 0 : i32
        %dma_start3A_146 = arith.constant 0 : i32
        %dma_start3A_147 = tpu.memref_slice %arg9[%dma_start3A_145, %dma_start3A_146] : memref<125x128xf32, #tpu.memory_space<vmem>> -> memref<80x128xf32, #tpu.memory_space<vmem>>
        %dma_start3A_148 = arith.constant 0 : i32
        %dma_start3A_149 = tpu.memref_slice %arg10[%mul3A_143, %dma_start3A_148] : memref<10000x128xf32, #tpu.memory_space<vmem_shared>> -> memref<80x128xf32, #tpu.memory_space<vmem_shared>>
        %dma_start3A_150 = arith.constant 0 : i32
        %dma_start3A_151 = tpu.memref_slice %arg10[%mul3A_143, %dma_start3A_150] : memref<10000x128xf32, #tpu.memory_space<vmem_shared>> -> memref<80x128xf32, #tpu.memory_space<vmem_shared>>
        %dma_start3A_152 = arith.constant 0 : i32
        %dma_start3A_153 = arith.constant 0 : i32
        %dma_start3A_154 = tpu.memref_slice %arg9[%dma_start3A_152, %dma_start3A_153] : memref<125x128xf32, #tpu.memory_space<vmem>> -> memref<80x128xf32, #tpu.memory_space<vmem>>
        tpu.enqueue_dma source(%dma_start3A_154 : memref<80x128xf32, #tpu.memory_space<vmem>>) target(%dma_start3A_151 : memref<80x128xf32, #tpu.memory_space<vmem_shared>>) target_semaphore(%run_scoped3A_144 : memref<!tpu.dma_semaphore, #tpu.memory_space<semaphore_mem>>)
        %dma_wait3A_155 = arith.constant 0 : i32
        %dma_wait3A_156 = arith.constant 0 : i32
        %dma_wait3A_157 = tpu.memref_slice %arg9[%dma_wait3A_155, %dma_wait3A_156] : memref<125x128xf32, #tpu.memory_space<vmem>> -> memref<80x128xf32, #tpu.memory_space<vmem>>
        %dma_wait3A_158 = arith.constant 0 : i32
        %dma_wait3A_159 = tpu.memref_slice %arg10[%mul3A_143, %dma_wait3A_158] : memref<10000x128xf32, #tpu.memory_space<vmem_shared>> -> memref<80x128xf32, #tpu.memory_space<vmem_shared>>
        %dma_wait3A_160 = arith.constant 0 : i32
        %dma_wait3A_161 = tpu.memref_slice %arg10[%mul3A_143, %dma_wait3A_160] : memref<10000x128xf32, #tpu.memory_space<vmem_shared>> -> memref<80x128xf32, #tpu.memory_space<vmem_shared>>
        %dma_wait3A_162 = arith.constant 0 : i32
        %dma_wait3A_163 = arith.constant 0 : i32
        %dma_wait3A_164 = tpu.memref_slice %arg9[%dma_wait3A_162, %dma_wait3A_163] : memref<125x128xf32, #tpu.memory_space<vmem>> -> memref<80x128xf32, #tpu.memory_space<vmem>>
        tpu.wait_dma2 semaphore(%run_scoped3A_144 : memref<!tpu.dma_semaphore, #tpu.memory_space<semaphore_mem>>) src(%dma_wait3A_164 : memref<80x128xf32, #tpu.memory_space<vmem>>) dst(%dma_wait3A_161 : memref<80x128xf32, #tpu.memory_space<vmem_shared>>)
        tpu.yield
      }) : () -> ()
    }
    %while3A_19 = arith.constant 1 : i32
    scf.for %while3A_139 = %while3A_17 to %while3A_13 step %while3A_19  : i32 {
      %mul3A_140 = arith.muli %while3A_139, %while3A : i32
      %add3A_141 = arith.addi %arg1, %mul3A_140 : i32
      %mul3A_142 = arith.constant 80 : i32
      %mul3A_143 = arith.muli %add3A_141, %mul3A_142 : i32
      "tpu.region"() ({
        %run_scoped3A_144 = tpu.sem_alloc : memref<!tpu.dma_semaphore, #tpu.memory_space<semaphore_mem>>
        %dma_start3A_145 = arith.constant 0 : i32
        %dma_start3A_146 = arith.constant 0 : i32
        %dma_start3A_147 = tpu.memref_slice %arg9[%dma_start3A_145, %dma_start3A_146] : memref<125x128xf32, #tpu.memory_space<vmem>> -> memref<80x128xf32, #tpu.memory_space<vmem>>
        %dma_start3A_148 = arith.constant 0 : i32
        %dma_start3A_149 = tpu.memref_slice %arg10[%mul3A_143, %dma_start3A_148] : memref<10000x128xf32, #tpu.memory_space<vmem_shared>> -> memref<80x128xf32, #tpu.memory_space<vmem_shared>>
        %dma_start3A_150 = arith.constant 0 : i32
        %dma_start3A_151 = tpu.memref_slice %arg10[%mul3A_143, %dma_start3A_150] : memref<10000x128xf32, #tpu.memory_space<vmem_shared>> -> memref<80x128xf32, #tpu.memory_space<vmem_shared>>
        %dma_start3A_152 = arith.constant 0 : i32
        %dma_start3A_153 = arith.constant 0 : i32
        %dma_start3A_154 = tpu.memref_slice %arg9[%dma_start3A_152, %dma_start3A_153] : memref<125x128xf32, #tpu.memory_space<vmem>> -> memref<80x128xf32, #tpu.memory_space<vmem>>
        tpu.enqueue_dma source(%dma_start3A_154 : memref<80x128xf32, #tpu.memory_space<vmem>>) target(%dma_start3A_151 : memref<80x128xf32, #tpu.memory_space<vmem_shared>>) target_semaphore(%run_scoped3A_144 : memref<!tpu.dma_semaphore, #tpu.memory_space<semaphore_mem>>)
        %dma_wait3A_155 = arith.constant 0 : i32
        %dma_wait3A_156 = arith.constant 0 : i32
        %dma_wait3A_157 = tpu.memref_slice %arg9[%dma_wait3A_155, %dma_wait3A_156] : memref<125x128xf32, #tpu.memory_space<vmem>> -> memref<80x128xf32, #tpu.memory_space<vmem>>
        %dma_wait3A_158 = arith.constant 0 : i32
        %dma_wait3A_159 = tpu.memref_slice %arg10[%mul3A_143, %dma_wait3A_158] : memref<10000x128xf32, #tpu.memory_space<vmem_shared>> -> memref<80x128xf32, #tpu.memory_space<vmem_shared>>
        %dma_wait3A_160 = arith.constant 0 : i32
        %dma_wait3A_161 = tpu.memref_slice %arg10[%mul3A_143, %dma_wait3A_160] : memref<10000x128xf32, #tpu.memory_space<vmem_shared>> -> memref<80x128xf32, #tpu.memory_space<vmem_shared>>
        %dma_wait3A_162 = arith.constant 0 : i32
        %dma_wait3A_163 = arith.constant 0 : i32
        %dma_wait3A_164 = tpu.memref_slice %arg9[%dma_wait3A_162, %dma_wait3A_163] : memref<125x128xf32, #tpu.memory_space<vmem>> -> memref<80x128xf32, #tpu.memory_space<vmem>>
        tpu.wait_dma2 semaphore(%run_scoped3A_144 : memref<!tpu.dma_semaphore, #tpu.memory_space<semaphore_mem>>) src(%dma_wait3A_164 : memref<80x128xf32, #tpu.memory_space<vmem>>) dst(%dma_wait3A_161 : memref<80x128xf32, #tpu.memory_space<vmem_shared>>)
        tpu.yield
      }) : () -> ()
    }
    %barrier3A = arith.constant 0 : index
    tpu.barrier barrier_id(%barrier3A)
    %run_scoped3A = arith.constant 1 : i32
    "tpu.region"() ({
      %run_scoped3A_139 = tpu.sem_alloc : memref<!tpu.dma_semaphore, #tpu.memory_space<semaphore_mem>>
      %dma_start3A_140 = arith.constant 0 : i32
      %dma_start3A_141 = arith.constant 0 : i32
      %dma_start3A_142 = tpu.memref_slice %arg3[%run_scoped3A, %add3A, %dma_start3A_140, %dma_start3A_141] : memref<2x32x80x125xi32, #tpu.memory_space<hbm>> -> memref<1x1x80x125xi32, #tpu.memory_space<hbm>>
      %dma_start3A_143 = tpu.memref_squeeze %dma_start3A_142 : memref<1x1x80x125xi32, #tpu.memory_space<hbm>> -> memref<80x125xi32, #tpu.memory_space<hbm>>
      %dma_start3A_144 = arith.constant 0 : i32
      %dma_start3A_145 = arith.constant 0 : i32
      %dma_start3A_146 = tpu.memref_slice %arg3[%run_scoped3A, %add3A, %dma_start3A_144, %dma_start3A_145] : memref<2x32x80x125xi32, #tpu.memory_space<hbm>> -> memref<1x1x80x125xi32, #tpu.memory_space<hbm>>
      %dma_start3A_147 = tpu.memref_squeeze %dma_start3A_146 : memref<1x1x80x125xi32, #tpu.memory_space<hbm>> -> memref<80x125xi32, #tpu.memory_space<hbm>>
      tpu.enqueue_dma source(%dma_start3A_147 : memref<80x125xi32, #tpu.memory_space<hbm>>) target(%arg7 : memref<80x125xi32, #tpu.memory_space<vmem>>) target_semaphore(%run_scoped3A_139 : memref<!tpu.dma_semaphore, #tpu.memory_space<semaphore_mem>>)
      %dma_wait3A_148 = arith.constant 0 : i32
      %dma_wait3A_149 = arith.constant 0 : i32
      %dma_wait3A_150 = tpu.memref_slice %arg3[%run_scoped3A, %add3A, %dma_wait3A_148, %dma_wait3A_149] : memref<2x32x80x125xi32, #tpu.memory_space<hbm>> -> memref<1x1x80x125xi32, #tpu.memory_space<hbm>>
      %dma_wait3A_151 = tpu.memref_squeeze %dma_wait3A_150 : memref<1x1x80x125xi32, #tpu.memory_space<hbm>> -> memref<80x125xi32, #tpu.memory_space<hbm>>
      %dma_wait3A_152 = arith.constant 0 : i32
      %dma_wait3A_153 = arith.constant 0 : i32
      %dma_wait3A_154 = tpu.memref_slice %arg3[%run_scoped3A, %add3A, %dma_wait3A_152, %dma_wait3A_153] : memref<2x32x80x125xi32, #tpu.memory_space<hbm>> -> memref<1x1x80x125xi32, #tpu.memory_space<hbm>>
      %dma_wait3A_155 = tpu.memref_squeeze %dma_wait3A_154 : memref<1x1x80x125xi32, #tpu.memory_space<hbm>> -> memref<80x125xi32, #tpu.memory_space<hbm>>
      tpu.wait_dma2 semaphore(%run_scoped3A_139 : memref<!tpu.dma_semaphore, #tpu.memory_space<semaphore_mem>>) src(%dma_wait3A_155 : memref<80x125xi32, #tpu.memory_space<hbm>>) dst(%arg7 : memref<80x125xi32, #tpu.memory_space<vmem>>)
      tpu.yield
    }) : () -> ()
    %run_scoped3A_20 = arith.constant 0 : i32
    "tpu.region"() ({
      %run_scoped3A_139 = tpu.sem_alloc : memref<!tpu.dma_semaphore, #tpu.memory_space<semaphore_mem>>
      %dma_start3A_140 = arith.constant 0 : i32
      %dma_start3A_141 = arith.constant 0 : i32
      %dma_start3A_142 = tpu.memref_slice %arg3[%run_scoped3A_20, %add3A, %dma_start3A_140, %dma_start3A_141] : memref<2x32x80x125xi32, #tpu.memory_space<hbm>> -> memref<1x1x40x125xi32, #tpu.memory_space<hbm>>
      %dma_start3A_143 = tpu.memref_squeeze %dma_start3A_142 : memref<1x1x40x125xi32, #tpu.memory_space<hbm>> -> memref<40x125xi32, #tpu.memory_space<hbm>>
      %dma_start3A_144 = arith.constant 0 : i32
      %dma_start3A_145 = arith.constant 0 : i32
      %dma_start3A_146 = tpu.memref_slice %arg3[%run_scoped3A_20, %add3A, %dma_start3A_144, %dma_start3A_145] : memref<2x32x80x125xi32, #tpu.memory_space<hbm>> -> memref<1x1x40x125xi32, #tpu.memory_space<hbm>>
      %dma_start3A_147 = tpu.memref_squeeze %dma_start3A_146 : memref<1x1x40x125xi32, #tpu.memory_space<hbm>> -> memref<40x125xi32, #tpu.memory_space<hbm>>
      tpu.enqueue_dma source(%dma_start3A_147 : memref<40x125xi32, #tpu.memory_space<hbm>>) target(%arg6 : memref<40x125xi32, #tpu.memory_space<vmem>>) target_semaphore(%run_scoped3A_139 : memref<!tpu.dma_semaphore, #tpu.memory_space<semaphore_mem>>)
      %dma_wait3A_148 = arith.constant 0 : i32
      %dma_wait3A_149 = arith.constant 0 : i32
      %dma_wait3A_150 = tpu.memref_slice %arg3[%run_scoped3A_20, %add3A, %dma_wait3A_148, %dma_wait3A_149] : memref<2x32x80x125xi32, #tpu.memory_space<hbm>> -> memref<1x1x40x125xi32, #tpu.memory_space<hbm>>
      %dma_wait3A_151 = tpu.memref_squeeze %dma_wait3A_150 : memref<1x1x40x125xi32, #tpu.memory_space<hbm>> -> memref<40x125xi32, #tpu.memory_space<hbm>>
      %dma_wait3A_152 = arith.constant 0 : i32
      %dma_wait3A_153 = arith.constant 0 : i32
      %dma_wait3A_154 = tpu.memref_slice %arg3[%run_scoped3A_20, %add3A, %dma_wait3A_152, %dma_wait3A_153] : memref<2x32x80x125xi32, #tpu.memory_space<hbm>> -> memref<1x1x40x125xi32, #tpu.memory_space<hbm>>
      %dma_wait3A_155 = tpu.memref_squeeze %dma_wait3A_154 : memref<1x1x40x125xi32, #tpu.memory_space<hbm>> -> memref<40x125xi32, #tpu.memory_space<hbm>>
      tpu.wait_dma2 semaphore(%run_scoped3A_139 : memref<!tpu.dma_semaphore, #tpu.memory_space<semaphore_mem>>) src(%dma_wait3A_155 : memref<40x125xi32, #tpu.memory_space<hbm>>) dst(%arg6 : memref<40x125xi32, #tpu.memory_space<vmem>>)
      tpu.yield
    }) : () -> ()
    %dma_start3A = arith.constant 0 : i32
    %dma_start3A_21 = arith.constant 0 : i32
    %dma_start3A_22 = tpu.memref_slice %arg6[%dma_start3A, %dma_start3A_21] : memref<40x125xi32, #tpu.memory_space<vmem>> -> memref<1x125xi32, #tpu.memory_space<vmem>>
    %dma_start3A_23 = tpu.memref_squeeze %dma_start3A_22 : memref<1x125xi32, #tpu.memory_space<vmem>> -> memref<125xi32, #tpu.memory_space<vmem>>
    %dma_start3A_24 = arith.constant 0 : i32
    %dma_start3A_25 = arith.constant 0 : i32
    %dma_start3A_26 = tpu.memref_slice %arg2[%dma_start3A_24, %dma_start3A_25] : memref<10000x128xf32, #tpu.memory_space<hbm>> -> memref<10000x128xf32, #tpu.memory_space<hbm>>
    tpu.enqueue_indirect_dma source(%dma_start3A_26 : memref<10000x128xf32, #tpu.memory_space<hbm>>) target(%arg8 : memref<125x128xf32, #tpu.memory_space<vmem>>) offsets(%dma_start3A_23 : memref<125xi32, #tpu.memory_space<vmem>>) semaphore(%arg11 : memref<!tpu.dma_semaphore, #tpu.memory_space<semaphore_mem>>)
    %dma_start3A_27 = arith.constant 1 : i32
    %dma_start3A_28 = arith.constant 0 : i32
    %dma_start3A_29 = tpu.memref_slice %arg6[%dma_start3A_27, %dma_start3A_28] : memref<40x125xi32, #tpu.memory_space<vmem>> -> memref<1x125xi32, #tpu.memory_space<vmem>>
    %dma_start3A_30 = tpu.memref_squeeze %dma_start3A_29 : memref<1x125xi32, #tpu.memory_space<vmem>> -> memref<125xi32, #tpu.memory_space<vmem>>
    %dma_start3A_31 = arith.constant 0 : i32
    %dma_start3A_32 = arith.constant 0 : i32
    %dma_start3A_33 = tpu.memref_slice %arg2[%dma_start3A_31, %dma_start3A_32] : memref<10000x128xf32, #tpu.memory_space<hbm>> -> memref<10000x128xf32, #tpu.memory_space<hbm>>
    tpu.enqueue_indirect_dma source(%dma_start3A_33 : memref<10000x128xf32, #tpu.memory_space<hbm>>) target(%arg9 : memref<125x128xf32, #tpu.memory_space<vmem>>) offsets(%dma_start3A_30 : memref<125xi32, #tpu.memory_space<vmem>>) semaphore(%arg12 : memref<!tpu.dma_semaphore, #tpu.memory_space<semaphore_mem>>)
    %scan3A_34 = arith.constant 0 : i32
    %scan3A_35 = arith.constant 19 : i32
    %scan3A_36 = arith.addi %scan3A_34, %scan3A_35 : i32
    %scan3A_37 = arith.constant 1 : i32
    scf.for %scan3A_139 = %scan3A_34 to %scan3A_36 step %scan3A_37  : i32 {
      %mul3A_140 = arith.constant 1 : i32
      %mul3A_141 = arith.muli %scan3A_139, %mul3A_140 : i32
      %add3A_142 = arith.constant 0 : i32
      %add3A_143 = arith.addi %add3A_142, %mul3A_141 : i32
      %mul3A_144 = arith.constant 2 : i32
      %mul3A_145 = arith.muli %add3A_143, %mul3A_144 : i32
      %add3A_146 = arith.constant 0 : i32
      %add3A_147 = arith.addi %mul3A_145, %add3A_146 : i32
      %dma_wait3A_148 = arith.constant 0 : i32
      %dma_wait3A_149 = tpu.memref_slice %arg6[%add3A_147, %dma_wait3A_148] : memref<40x125xi32, #tpu.memory_space<vmem>> -> memref<1x125xi32, #tpu.memory_space<vmem>>
      %dma_wait3A_150 = tpu.memref_squeeze %dma_wait3A_149 : memref<1x125xi32, #tpu.memory_space<vmem>> -> memref<125xi32, #tpu.memory_space<vmem>>
      %dma_wait3A_151 = arith.constant 0 : i32
      %dma_wait3A_152 = arith.constant 0 : i32
      %dma_wait3A_153 = tpu.memref_slice %arg2[%dma_wait3A_151, %dma_wait3A_152] : memref<10000x128xf32, #tpu.memory_space<hbm>> -> memref<10000x128xf32, #tpu.memory_space<hbm>>
      tpu.wait_indirect_dma semaphore(%arg11 : memref<!tpu.dma_semaphore, #tpu.memory_space<semaphore_mem>>) src(%dma_wait3A_153 : memref<10000x128xf32, #tpu.memory_space<hbm>>) dst(%arg8 : memref<125x128xf32, #tpu.memory_space<vmem>>)
      %add3A_154 = arith.constant 0 : i32
      %add3A_155 = arith.addi %add3A_154, %mul3A_145 : i32
      %add3A_156 = arith.constant 0 : i32
      %add3A_157 = arith.addi %add3A_155, %add3A_156 : i32
      "tpu.region"() ({
        %run_scoped3A_190 = tpu.sem_alloc : memref<!tpu.dma_semaphore, #tpu.memory_space<semaphore_mem>>
        %dma_start3A_191 = arith.constant 0 : i32
        %dma_start3A_192 = tpu.memref_slice %arg7[%add3A_157, %dma_start3A_191] : memref<80x125xi32, #tpu.memory_space<vmem>> -> memref<1x125xi32, #tpu.memory_space<vmem>>
        %dma_start3A_193 = tpu.memref_squeeze %dma_start3A_192 : memref<1x125xi32, #tpu.memory_space<vmem>> -> memref<125xi32, #tpu.memory_space<vmem>>
        %dma_start3A_194 = arith.constant 0 : i32
        %dma_start3A_195 = arith.constant 0 : i32
        %dma_start3A_196 = tpu.memref_slice %arg10[%dma_start3A_194, %dma_start3A_195] : memref<10000x128xf32, #tpu.memory_space<vmem_shared>> -> memref<10000x128xf32, #tpu.memory_space<vmem_shared>>
        tpu.enqueue_indirect_dma source(%arg8 : memref<125x128xf32, #tpu.memory_space<vmem>>) target(%dma_start3A_196 : memref<10000x128xf32, #tpu.memory_space<vmem_shared>>) offsets(%dma_start3A_193 : memref<125xi32, #tpu.memory_space<vmem>>) semaphore(%run_scoped3A_190 : memref<!tpu.dma_semaphore, #tpu.memory_space<semaphore_mem>>) {add = true}
        %dma_wait3A_197 = arith.constant 0 : i32
        %dma_wait3A_198 = tpu.memref_slice %arg7[%add3A_157, %dma_wait3A_197] : memref<80x125xi32, #tpu.memory_space<vmem>> -> memref<1x125xi32, #tpu.memory_space<vmem>>
        %dma_wait3A_199 = tpu.memref_squeeze %dma_wait3A_198 : memref<1x125xi32, #tpu.memory_space<vmem>> -> memref<125xi32, #tpu.memory_space<vmem>>
        %dma_wait3A_200 = arith.constant 0 : i32
        %dma_wait3A_201 = arith.constant 0 : i32
        %dma_wait3A_202 = tpu.memref_slice %arg10[%dma_wait3A_200, %dma_wait3A_201] : memref<10000x128xf32, #tpu.memory_space<vmem_shared>> -> memref<10000x128xf32, #tpu.memory_space<vmem_shared>>
        tpu.wait_indirect_dma semaphore(%run_scoped3A_190 : memref<!tpu.dma_semaphore, #tpu.memory_space<semaphore_mem>>) src(%arg8 : memref<125x128xf32, #tpu.memory_space<vmem>>) dst(%dma_wait3A_202 : memref<10000x128xf32, #tpu.memory_space<vmem_shared>>)
        tpu.yield
      }) : () -> ()
      %add3A_158 = arith.constant 2 : i32
      %add3A_159 = arith.addi %mul3A_145, %add3A_158 : i32
      %add3A_160 = arith.constant 0 : i32
      %add3A_161 = arith.addi %add3A_159, %add3A_160 : i32
      %dma_start3A_162 = arith.constant 0 : i32
      %dma_start3A_163 = tpu.memref_slice %arg6[%add3A_161, %dma_start3A_162] : memref<40x125xi32, #tpu.memory_space<vmem>> -> memref<1x125xi32, #tpu.memory_space<vmem>>
      %dma_start3A_164 = tpu.memref_squeeze %dma_start3A_163 : memref<1x125xi32, #tpu.memory_space<vmem>> -> memref<125xi32, #tpu.memory_space<vmem>>
      %dma_start3A_165 = arith.constant 0 : i32
      %dma_start3A_166 = arith.constant 0 : i32
      %dma_start3A_167 = tpu.memref_slice %arg2[%dma_start3A_165, %dma_start3A_166] : memref<10000x128xf32, #tpu.memory_space<hbm>> -> memref<10000x128xf32, #tpu.memory_space<hbm>>
      tpu.enqueue_indirect_dma source(%dma_start3A_167 : memref<10000x128xf32, #tpu.memory_space<hbm>>) target(%arg8 : memref<125x128xf32, #tpu.memory_space<vmem>>) offsets(%dma_start3A_164 : memref<125xi32, #tpu.memory_space<vmem>>) semaphore(%arg11 : memref<!tpu.dma_semaphore, #tpu.memory_space<semaphore_mem>>)
      %add3A_168 = arith.constant 1 : i32
      %add3A_169 = arith.addi %mul3A_145, %add3A_168 : i32
      %dma_wait3A_170 = arith.constant 0 : i32
      %dma_wait3A_171 = tpu.memref_slice %arg6[%add3A_169, %dma_wait3A_170] : memref<40x125xi32, #tpu.memory_space<vmem>> -> memref<1x125xi32, #tpu.memory_space<vmem>>
      %dma_wait3A_172 = tpu.memref_squeeze %dma_wait3A_171 : memref<1x125xi32, #tpu.memory_space<vmem>> -> memref<125xi32, #tpu.memory_space<vmem>>
      %dma_wait3A_173 = arith.constant 0 : i32
      %dma_wait3A_174 = arith.constant 0 : i32
      %dma_wait3A_175 = tpu.memref_slice %arg2[%dma_wait3A_173, %dma_wait3A_174] : memref<10000x128xf32, #tpu.memory_space<hbm>> -> memref<10000x128xf32, #tpu.memory_space<hbm>>
      tpu.wait_indirect_dma semaphore(%arg12 : memref<!tpu.dma_semaphore, #tpu.memory_space<semaphore_mem>>) src(%dma_wait3A_175 : memref<10000x128xf32, #tpu.memory_space<hbm>>) dst(%arg9 : memref<125x128xf32, #tpu.memory_space<vmem>>)
      %add3A_176 = arith.constant 0 : i32
      %add3A_177 = arith.addi %add3A_176, %mul3A_145 : i32
      %add3A_178 = arith.constant 1 : i32
      %add3A_179 = arith.addi %add3A_177, %add3A_178 : i32
      "tpu.region"() ({
        %run_scoped3A_190 = tpu.sem_alloc : memref<!tpu.dma_semaphore, #tpu.memory_space<semaphore_mem>>
        %dma_start3A_191 = arith.constant 0 : i32
        %dma_start3A_192 = tpu.memref_slice %arg7[%add3A_179, %dma_start3A_191] : memref<80x125xi32, #tpu.memory_space<vmem>> -> memref<1x125xi32, #tpu.memory_space<vmem>>
        %dma_start3A_193 = tpu.memref_squeeze %dma_start3A_192 : memref<1x125xi32, #tpu.memory_space<vmem>> -> memref<125xi32, #tpu.memory_space<vmem>>
        %dma_start3A_194 = arith.constant 0 : i32
        %dma_start3A_195 = arith.constant 0 : i32
        %dma_start3A_196 = tpu.memref_slice %arg10[%dma_start3A_194, %dma_start3A_195] : memref<10000x128xf32, #tpu.memory_space<vmem_shared>> -> memref<10000x128xf32, #tpu.memory_space<vmem_shared>>
        tpu.enqueue_indirect_dma source(%arg9 : memref<125x128xf32, #tpu.memory_space<vmem>>) target(%dma_start3A_196 : memref<10000x128xf32, #tpu.memory_space<vmem_shared>>) offsets(%dma_start3A_193 : memref<125xi32, #tpu.memory_space<vmem>>) semaphore(%run_scoped3A_190 : memref<!tpu.dma_semaphore, #tpu.memory_space<semaphore_mem>>) {add = true}
        %dma_wait3A_197 = arith.constant 0 : i32
        %dma_wait3A_198 = tpu.memref_slice %arg7[%add3A_179, %dma_wait3A_197] : memref<80x125xi32, #tpu.memory_space<vmem>> -> memref<1x125xi32, #tpu.memory_space<vmem>>
        %dma_wait3A_199 = tpu.memref_squeeze %dma_wait3A_198 : memref<1x125xi32, #tpu.memory_space<vmem>> -> memref<125xi32, #tpu.memory_space<vmem>>
        %dma_wait3A_200 = arith.constant 0 : i32
        %dma_wait3A_201 = arith.constant 0 : i32
        %dma_wait3A_202 = tpu.memref_slice %arg10[%dma_wait3A_200, %dma_wait3A_201] : memref<10000x128xf32, #tpu.memory_space<vmem_shared>> -> memref<10000x128xf32, #tpu.memory_space<vmem_shared>>
        tpu.wait_indirect_dma semaphore(%run_scoped3A_190 : memref<!tpu.dma_semaphore, #tpu.memory_space<semaphore_mem>>) src(%arg9 : memref<125x128xf32, #tpu.memory_space<vmem>>) dst(%dma_wait3A_202 : memref<10000x128xf32, #tpu.memory_space<vmem_shared>>)
        tpu.yield
      }) : () -> ()
      %add3A_180 = arith.constant 2 : i32
      %add3A_181 = arith.addi %mul3A_145, %add3A_180 : i32
      %add3A_182 = arith.constant 1 : i32
      %add3A_183 = arith.addi %add3A_181, %add3A_182 : i32
      %dma_start3A_184 = arith.constant 0 : i32
      %dma_start3A_185 = tpu.memref_slice %arg6[%add3A_183, %dma_start3A_184] : memref<40x125xi32, #tpu.memory_space<vmem>> -> memref<1x125xi32, #tpu.memory_space<vmem>>
      %dma_start3A_186 = tpu.memref_squeeze %dma_start3A_185 : memref<1x125xi32, #tpu.memory_space<vmem>> -> memref<125xi32, #tpu.memory_space<vmem>>
      %dma_start3A_187 = arith.constant 0 : i32
      %dma_start3A_188 = arith.constant 0 : i32
      %dma_start3A_189 = tpu.memref_slice %arg2[%dma_start3A_187, %dma_start3A_188] : memref<10000x128xf32, #tpu.memory_space<hbm>> -> memref<10000x128xf32, #tpu.memory_space<hbm>>
      tpu.enqueue_indirect_dma source(%dma_start3A_189 : memref<10000x128xf32, #tpu.memory_space<hbm>>) target(%arg9 : memref<125x128xf32, #tpu.memory_space<vmem>>) offsets(%dma_start3A_186 : memref<125xi32, #tpu.memory_space<vmem>>) semaphore(%arg12 : memref<!tpu.dma_semaphore, #tpu.memory_space<semaphore_mem>>)
    }
    %scan3A_38 = arith.constant 19 : i32
    %dma_wait3A = arith.constant 38 : i32
    %dma_wait3A_39 = arith.constant 0 : i32
    %dma_wait3A_40 = tpu.memref_slice %arg6[%dma_wait3A, %dma_wait3A_39] : memref<40x125xi32, #tpu.memory_space<vmem>> -> memref<1x125xi32, #tpu.memory_space<vmem>>
    %dma_wait3A_41 = tpu.memref_squeeze %dma_wait3A_40 : memref<1x125xi32, #tpu.memory_space<vmem>> -> memref<125xi32, #tpu.memory_space<vmem>>
    %dma_wait3A_42 = arith.constant 0 : i32
    %dma_wait3A_43 = arith.constant 0 : i32
    %dma_wait3A_44 = tpu.memref_slice %arg2[%dma_wait3A_42, %dma_wait3A_43] : memref<10000x128xf32, #tpu.memory_space<hbm>> -> memref<10000x128xf32, #tpu.memory_space<hbm>>
    tpu.wait_indirect_dma semaphore(%arg11 : memref<!tpu.dma_semaphore, #tpu.memory_space<semaphore_mem>>) src(%dma_wait3A_44 : memref<10000x128xf32, #tpu.memory_space<hbm>>) dst(%arg8 : memref<125x128xf32, #tpu.memory_space<vmem>>)
    %run_scoped3A_45 = arith.constant 38 : i32
    "tpu.region"() ({
      %run_scoped3A_139 = tpu.sem_alloc : memref<!tpu.dma_semaphore, #tpu.memory_space<semaphore_mem>>
      %dma_start3A_140 = arith.constant 0 : i32
      %dma_start3A_141 = tpu.memref_slice %arg7[%run_scoped3A_45, %dma_start3A_140] : memref<80x125xi32, #tpu.memory_space<vmem>> -> memref<1x125xi32, #tpu.memory_space<vmem>>
      %dma_start3A_142 = tpu.memref_squeeze %dma_start3A_141 : memref<1x125xi32, #tpu.memory_space<vmem>> -> memref<125xi32, #tpu.memory_space<vmem>>
      %dma_start3A_143 = arith.constant 0 : i32
      %dma_start3A_144 = arith.constant 0 : i32
      %dma_start3A_145 = tpu.memref_slice %arg10[%dma_start3A_143, %dma_start3A_144] : memref<10000x128xf32, #tpu.memory_space<vmem_shared>> -> memref<10000x128xf32, #tpu.memory_space<vmem_shared>>
      tpu.enqueue_indirect_dma source(%arg8 : memref<125x128xf32, #tpu.memory_space<vmem>>) target(%dma_start3A_145 : memref<10000x128xf32, #tpu.memory_space<vmem_shared>>) offsets(%dma_start3A_142 : memref<125xi32, #tpu.memory_space<vmem>>) semaphore(%run_scoped3A_139 : memref<!tpu.dma_semaphore, #tpu.memory_space<semaphore_mem>>) {add = true}
      %dma_wait3A_146 = arith.constant 0 : i32
      %dma_wait3A_147 = tpu.memref_slice %arg7[%run_scoped3A_45, %dma_wait3A_146] : memref<80x125xi32, #tpu.memory_space<vmem>> -> memref<1x125xi32, #tpu.memory_space<vmem>>
      %dma_wait3A_148 = tpu.memref_squeeze %dma_wait3A_147 : memref<1x125xi32, #tpu.memory_space<vmem>> -> memref<125xi32, #tpu.memory_space<vmem>>
      %dma_wait3A_149 = arith.constant 0 : i32
      %dma_wait3A_150 = arith.constant 0 : i32
      %dma_wait3A_151 = tpu.memref_slice %arg10[%dma_wait3A_149, %dma_wait3A_150] : memref<10000x128xf32, #tpu.memory_space<vmem_shared>> -> memref<10000x128xf32, #tpu.memory_space<vmem_shared>>
      tpu.wait_indirect_dma semaphore(%run_scoped3A_139 : memref<!tpu.dma_semaphore, #tpu.memory_space<semaphore_mem>>) src(%arg8 : memref<125x128xf32, #tpu.memory_space<vmem>>) dst(%dma_wait3A_151 : memref<10000x128xf32, #tpu.memory_space<vmem_shared>>)
      tpu.yield
    }) : () -> ()
    %dma_wait3A_46 = arith.constant 39 : i32
    %dma_wait3A_47 = arith.constant 0 : i32
    %dma_wait3A_48 = tpu.memref_slice %arg6[%dma_wait3A_46, %dma_wait3A_47] : memref<40x125xi32, #tpu.memory_space<vmem>> -> memref<1x125xi32, #tpu.memory_space<vmem>>
    %dma_wait3A_49 = tpu.memref_squeeze %dma_wait3A_48 : memref<1x125xi32, #tpu.memory_space<vmem>> -> memref<125xi32, #tpu.memory_space<vmem>>
    %dma_wait3A_50 = arith.constant 0 : i32
    %dma_wait3A_51 = arith.constant 0 : i32
    %dma_wait3A_52 = tpu.memref_slice %arg2[%dma_wait3A_50, %dma_wait3A_51] : memref<10000x128xf32, #tpu.memory_space<hbm>> -> memref<10000x128xf32, #tpu.memory_space<hbm>>
    tpu.wait_indirect_dma semaphore(%arg12 : memref<!tpu.dma_semaphore, #tpu.memory_space<semaphore_mem>>) src(%dma_wait3A_52 : memref<10000x128xf32, #tpu.memory_space<hbm>>) dst(%arg9 : memref<125x128xf32, #tpu.memory_space<vmem>>)
    %run_scoped3A_53 = arith.constant 39 : i32
    "tpu.region"() ({
      %run_scoped3A_139 = tpu.sem_alloc : memref<!tpu.dma_semaphore, #tpu.memory_space<semaphore_mem>>
      %dma_start3A_140 = arith.constant 0 : i32
      %dma_start3A_141 = tpu.memref_slice %arg7[%run_scoped3A_53, %dma_start3A_140] : memref<80x125xi32, #tpu.memory_space<vmem>> -> memref<1x125xi32, #tpu.memory_space<vmem>>
      %dma_start3A_142 = tpu.memref_squeeze %dma_start3A_141 : memref<1x125xi32, #tpu.memory_space<vmem>> -> memref<125xi32, #tpu.memory_space<vmem>>
      %dma_start3A_143 = arith.constant 0 : i32
      %dma_start3A_144 = arith.constant 0 : i32
      %dma_start3A_145 = tpu.memref_slice %arg10[%dma_start3A_143, %dma_start3A_144] : memref<10000x128xf32, #tpu.memory_space<vmem_shared>> -> memref<10000x128xf32, #tpu.memory_space<vmem_shared>>
      tpu.enqueue_indirect_dma source(%arg9 : memref<125x128xf32, #tpu.memory_space<vmem>>) target(%dma_start3A_145 : memref<10000x128xf32, #tpu.memory_space<vmem_shared>>) offsets(%dma_start3A_142 : memref<125xi32, #tpu.memory_space<vmem>>) semaphore(%run_scoped3A_139 : memref<!tpu.dma_semaphore, #tpu.memory_space<semaphore_mem>>) {add = true}
      %dma_wait3A_146 = arith.constant 0 : i32
      %dma_wait3A_147 = tpu.memref_slice %arg7[%run_scoped3A_53, %dma_wait3A_146] : memref<80x125xi32, #tpu.memory_space<vmem>> -> memref<1x125xi32, #tpu.memory_space<vmem>>
      %dma_wait3A_148 = tpu.memref_squeeze %dma_wait3A_147 : memref<1x125xi32, #tpu.memory_space<vmem>> -> memref<125xi32, #tpu.memory_space<vmem>>
      %dma_wait3A_149 = arith.constant 0 : i32
      %dma_wait3A_150 = arith.constant 0 : i32
      %dma_wait3A_151 = tpu.memref_slice %arg10[%dma_wait3A_149, %dma_wait3A_150] : memref<10000x128xf32, #tpu.memory_space<vmem_shared>> -> memref<10000x128xf32, #tpu.memory_space<vmem_shared>>
      tpu.wait_indirect_dma semaphore(%run_scoped3A_139 : memref<!tpu.dma_semaphore, #tpu.memory_space<semaphore_mem>>) src(%arg9 : memref<125x128xf32, #tpu.memory_space<vmem>>) dst(%dma_wait3A_151 : memref<10000x128xf32, #tpu.memory_space<vmem_shared>>)
      tpu.yield
    }) : () -> ()
    %run_scoped3A_54 = arith.constant 0 : i32
    "tpu.region"() ({
      %run_scoped3A_139 = tpu.sem_alloc : memref<!tpu.dma_semaphore, #tpu.memory_space<semaphore_mem>>
      %dma_start3A_140 = arith.constant 40 : i32
      %dma_start3A_141 = arith.constant 0 : i32
      %dma_start3A_142 = tpu.memref_slice %arg3[%run_scoped3A_54, %add3A, %dma_start3A_140, %dma_start3A_141] : memref<2x32x80x125xi32, #tpu.memory_space<hbm>> -> memref<1x1x40x125xi32, #tpu.memory_space<hbm>>
      %dma_start3A_143 = tpu.memref_squeeze %dma_start3A_142 : memref<1x1x40x125xi32, #tpu.memory_space<hbm>> -> memref<40x125xi32, #tpu.memory_space<hbm>>
      %dma_start3A_144 = arith.constant 40 : i32
      %dma_start3A_145 = arith.constant 0 : i32
      %dma_start3A_146 = tpu.memref_slice %arg3[%run_scoped3A_54, %add3A, %dma_start3A_144, %dma_start3A_145] : memref<2x32x80x125xi32, #tpu.memory_space<hbm>> -> memref<1x1x40x125xi32, #tpu.memory_space<hbm>>
      %dma_start3A_147 = tpu.memref_squeeze %dma_start3A_146 : memref<1x1x40x125xi32, #tpu.memory_space<hbm>> -> memref<40x125xi32, #tpu.memory_space<hbm>>
      tpu.enqueue_dma source(%dma_start3A_147 : memref<40x125xi32, #tpu.memory_space<hbm>>) target(%arg6 : memref<40x125xi32, #tpu.memory_space<vmem>>) target_semaphore(%run_scoped3A_139 : memref<!tpu.dma_semaphore, #tpu.memory_space<semaphore_mem>>)
      %dma_wait3A_148 = arith.constant 40 : i32
      %dma_wait3A_149 = arith.constant 0 : i32
      %dma_wait3A_150 = tpu.memref_slice %arg3[%run_scoped3A_54, %add3A, %dma_wait3A_148, %dma_wait3A_149] : memref<2x32x80x125xi32, #tpu.memory_space<hbm>> -> memref<1x1x40x125xi32, #tpu.memory_space<hbm>>
      %dma_wait3A_151 = tpu.memref_squeeze %dma_wait3A_150 : memref<1x1x40x125xi32, #tpu.memory_space<hbm>> -> memref<40x125xi32, #tpu.memory_space<hbm>>
      %dma_wait3A_152 = arith.constant 40 : i32
      %dma_wait3A_153 = arith.constant 0 : i32
      %dma_wait3A_154 = tpu.memref_slice %arg3[%run_scoped3A_54, %add3A, %dma_wait3A_152, %dma_wait3A_153] : memref<2x32x80x125xi32, #tpu.memory_space<hbm>> -> memref<1x1x40x125xi32, #tpu.memory_space<hbm>>
      %dma_wait3A_155 = tpu.memref_squeeze %dma_wait3A_154 : memref<1x1x40x125xi32, #tpu.memory_space<hbm>> -> memref<40x125xi32, #tpu.memory_space<hbm>>
      tpu.wait_dma2 semaphore(%run_scoped3A_139 : memref<!tpu.dma_semaphore, #tpu.memory_space<semaphore_mem>>) src(%dma_wait3A_155 : memref<40x125xi32, #tpu.memory_space<hbm>>) dst(%arg6 : memref<40x125xi32, #tpu.memory_space<vmem>>)
      tpu.yield
    }) : () -> ()
    %dma_start3A_55 = arith.constant 0 : i32
    %dma_start3A_56 = arith.constant 0 : i32
    %dma_start3A_57 = tpu.memref_slice %arg6[%dma_start3A_55, %dma_start3A_56] : memref<40x125xi32, #tpu.memory_space<vmem>> -> memref<1x125xi32, #tpu.memory_space<vmem>>
    %dma_start3A_58 = tpu.memref_squeeze %dma_start3A_57 : memref<1x125xi32, #tpu.memory_space<vmem>> -> memref<125xi32, #tpu.memory_space<vmem>>
    %dma_start3A_59 = arith.constant 0 : i32
    %dma_start3A_60 = arith.constant 0 : i32
    %dma_start3A_61 = tpu.memref_slice %arg2[%dma_start3A_59, %dma_start3A_60] : memref<10000x128xf32, #tpu.memory_space<hbm>> -> memref<10000x128xf32, #tpu.memory_space<hbm>>
    tpu.enqueue_indirect_dma source(%dma_start3A_61 : memref<10000x128xf32, #tpu.memory_space<hbm>>) target(%arg8 : memref<125x128xf32, #tpu.memory_space<vmem>>) offsets(%dma_start3A_58 : memref<125xi32, #tpu.memory_space<vmem>>) semaphore(%arg11 : memref<!tpu.dma_semaphore, #tpu.memory_space<semaphore_mem>>)
    %dma_start3A_62 = arith.constant 1 : i32
    %dma_start3A_63 = arith.constant 0 : i32
    %dma_start3A_64 = tpu.memref_slice %arg6[%dma_start3A_62, %dma_start3A_63] : memref<40x125xi32, #tpu.memory_space<vmem>> -> memref<1x125xi32, #tpu.memory_space<vmem>>
    %dma_start3A_65 = tpu.memref_squeeze %dma_start3A_64 : memref<1x125xi32, #tpu.memory_space<vmem>> -> memref<125xi32, #tpu.memory_space<vmem>>
    %dma_start3A_66 = arith.constant 0 : i32
    %dma_start3A_67 = arith.constant 0 : i32
    %dma_start3A_68 = tpu.memref_slice %arg2[%dma_start3A_66, %dma_start3A_67] : memref<10000x128xf32, #tpu.memory_space<hbm>> -> memref<10000x128xf32, #tpu.memory_space<hbm>>
    tpu.enqueue_indirect_dma source(%dma_start3A_68 : memref<10000x128xf32, #tpu.memory_space<hbm>>) target(%arg9 : memref<125x128xf32, #tpu.memory_space<vmem>>) offsets(%dma_start3A_65 : memref<125xi32, #tpu.memory_space<vmem>>) semaphore(%arg12 : memref<!tpu.dma_semaphore, #tpu.memory_space<semaphore_mem>>)
    %scan3A_69 = arith.constant 0 : i32
    %scan3A_70 = arith.constant 19 : i32
    %scan3A_71 = arith.addi %scan3A_69, %scan3A_70 : i32
    %scan3A_72 = arith.constant 1 : i32
    scf.for %scan3A_139 = %scan3A_69 to %scan3A_71 step %scan3A_72  : i32 {
      %mul3A_140 = arith.constant 1 : i32
      %mul3A_141 = arith.muli %scan3A_139, %mul3A_140 : i32
      %add3A_142 = arith.constant 0 : i32
      %add3A_143 = arith.addi %add3A_142, %mul3A_141 : i32
      %mul3A_144 = arith.constant 2 : i32
      %mul3A_145 = arith.muli %add3A_143, %mul3A_144 : i32
      %add3A_146 = arith.constant 0 : i32
      %add3A_147 = arith.addi %mul3A_145, %add3A_146 : i32
      %dma_wait3A_148 = arith.constant 0 : i32
      %dma_wait3A_149 = tpu.memref_slice %arg6[%add3A_147, %dma_wait3A_148] : memref<40x125xi32, #tpu.memory_space<vmem>> -> memref<1x125xi32, #tpu.memory_space<vmem>>
      %dma_wait3A_150 = tpu.memref_squeeze %dma_wait3A_149 : memref<1x125xi32, #tpu.memory_space<vmem>> -> memref<125xi32, #tpu.memory_space<vmem>>
      %dma_wait3A_151 = arith.constant 0 : i32
      %dma_wait3A_152 = arith.constant 0 : i32
      %dma_wait3A_153 = tpu.memref_slice %arg2[%dma_wait3A_151, %dma_wait3A_152] : memref<10000x128xf32, #tpu.memory_space<hbm>> -> memref<10000x128xf32, #tpu.memory_space<hbm>>
      tpu.wait_indirect_dma semaphore(%arg11 : memref<!tpu.dma_semaphore, #tpu.memory_space<semaphore_mem>>) src(%dma_wait3A_153 : memref<10000x128xf32, #tpu.memory_space<hbm>>) dst(%arg8 : memref<125x128xf32, #tpu.memory_space<vmem>>)
      %add3A_154 = arith.constant 40 : i32
      %add3A_155 = arith.addi %add3A_154, %mul3A_145 : i32
      %add3A_156 = arith.constant 0 : i32
      %add3A_157 = arith.addi %add3A_155, %add3A_156 : i32
      "tpu.region"() ({
        %run_scoped3A_190 = tpu.sem_alloc : memref<!tpu.dma_semaphore, #tpu.memory_space<semaphore_mem>>
        %dma_start3A_191 = arith.constant 0 : i32
        %dma_start3A_192 = tpu.memref_slice %arg7[%add3A_157, %dma_start3A_191] : memref<80x125xi32, #tpu.memory_space<vmem>> -> memref<1x125xi32, #tpu.memory_space<vmem>>
        %dma_start3A_193 = tpu.memref_squeeze %dma_start3A_192 : memref<1x125xi32, #tpu.memory_space<vmem>> -> memref<125xi32, #tpu.memory_space<vmem>>
        %dma_start3A_194 = arith.constant 0 : i32
        %dma_start3A_195 = arith.constant 0 : i32
        %dma_start3A_196 = tpu.memref_slice %arg10[%dma_start3A_194, %dma_start3A_195] : memref<10000x128xf32, #tpu.memory_space<vmem_shared>> -> memref<10000x128xf32, #tpu.memory_space<vmem_shared>>
        tpu.enqueue_indirect_dma source(%arg8 : memref<125x128xf32, #tpu.memory_space<vmem>>) target(%dma_start3A_196 : memref<10000x128xf32, #tpu.memory_space<vmem_shared>>) offsets(%dma_start3A_193 : memref<125xi32, #tpu.memory_space<vmem>>) semaphore(%run_scoped3A_190 : memref<!tpu.dma_semaphore, #tpu.memory_space<semaphore_mem>>) {add = true}
        %dma_wait3A_197 = arith.constant 0 : i32
        %dma_wait3A_198 = tpu.memref_slice %arg7[%add3A_157, %dma_wait3A_197] : memref<80x125xi32, #tpu.memory_space<vmem>> -> memref<1x125xi32, #tpu.memory_space<vmem>>
        %dma_wait3A_199 = tpu.memref_squeeze %dma_wait3A_198 : memref<1x125xi32, #tpu.memory_space<vmem>> -> memref<125xi32, #tpu.memory_space<vmem>>
        %dma_wait3A_200 = arith.constant 0 : i32
        %dma_wait3A_201 = arith.constant 0 : i32
        %dma_wait3A_202 = tpu.memref_slice %arg10[%dma_wait3A_200, %dma_wait3A_201] : memref<10000x128xf32, #tpu.memory_space<vmem_shared>> -> memref<10000x128xf32, #tpu.memory_space<vmem_shared>>
        tpu.wait_indirect_dma semaphore(%run_scoped3A_190 : memref<!tpu.dma_semaphore, #tpu.memory_space<semaphore_mem>>) src(%arg8 : memref<125x128xf32, #tpu.memory_space<vmem>>) dst(%dma_wait3A_202 : memref<10000x128xf32, #tpu.memory_space<vmem_shared>>)
        tpu.yield
      }) : () -> ()
      %add3A_158 = arith.constant 2 : i32
      %add3A_159 = arith.addi %mul3A_145, %add3A_158 : i32
      %add3A_160 = arith.constant 0 : i32
      %add3A_161 = arith.addi %add3A_159, %add3A_160 : i32
      %dma_start3A_162 = arith.constant 0 : i32
      %dma_start3A_163 = tpu.memref_slice %arg6[%add3A_161, %dma_start3A_162] : memref<40x125xi32, #tpu.memory_space<vmem>> -> memref<1x125xi32, #tpu.memory_space<vmem>>
      %dma_start3A_164 = tpu.memref_squeeze %dma_start3A_163 : memref<1x125xi32, #tpu.memory_space<vmem>> -> memref<125xi32, #tpu.memory_space<vmem>>
      %dma_start3A_165 = arith.constant 0 : i32
      %dma_start3A_166 = arith.constant 0 : i32
      %dma_start3A_167 = tpu.memref_slice %arg2[%dma_start3A_165, %dma_start3A_166] : memref<10000x128xf32, #tpu.memory_space<hbm>> -> memref<10000x128xf32, #tpu.memory_space<hbm>>
      tpu.enqueue_indirect_dma source(%dma_start3A_167 : memref<10000x128xf32, #tpu.memory_space<hbm>>) target(%arg8 : memref<125x128xf32, #tpu.memory_space<vmem>>) offsets(%dma_start3A_164 : memref<125xi32, #tpu.memory_space<vmem>>) semaphore(%arg11 : memref<!tpu.dma_semaphore, #tpu.memory_space<semaphore_mem>>)
      %add3A_168 = arith.constant 1 : i32
      %add3A_169 = arith.addi %mul3A_145, %add3A_168 : i32
      %dma_wait3A_170 = arith.constant 0 : i32
      %dma_wait3A_171 = tpu.memref_slice %arg6[%add3A_169, %dma_wait3A_170] : memref<40x125xi32, #tpu.memory_space<vmem>> -> memref<1x125xi32, #tpu.memory_space<vmem>>
      %dma_wait3A_172 = tpu.memref_squeeze %dma_wait3A_171 : memref<1x125xi32, #tpu.memory_space<vmem>> -> memref<125xi32, #tpu.memory_space<vmem>>
      %dma_wait3A_173 = arith.constant 0 : i32
      %dma_wait3A_174 = arith.constant 0 : i32
      %dma_wait3A_175 = tpu.memref_slice %arg2[%dma_wait3A_173, %dma_wait3A_174] : memref<10000x128xf32, #tpu.memory_space<hbm>> -> memref<10000x128xf32, #tpu.memory_space<hbm>>
      tpu.wait_indirect_dma semaphore(%arg12 : memref<!tpu.dma_semaphore, #tpu.memory_space<semaphore_mem>>) src(%dma_wait3A_175 : memref<10000x128xf32, #tpu.memory_space<hbm>>) dst(%arg9 : memref<125x128xf32, #tpu.memory_space<vmem>>)
      %add3A_176 = arith.constant 40 : i32
      %add3A_177 = arith.addi %add3A_176, %mul3A_145 : i32
      %add3A_178 = arith.constant 1 : i32
      %add3A_179 = arith.addi %add3A_177, %add3A_178 : i32
      "tpu.region"() ({
        %run_scoped3A_190 = tpu.sem_alloc : memref<!tpu.dma_semaphore, #tpu.memory_space<semaphore_mem>>
        %dma_start3A_191 = arith.constant 0 : i32
        %dma_start3A_192 = tpu.memref_slice %arg7[%add3A_179, %dma_start3A_191] : memref<80x125xi32, #tpu.memory_space<vmem>> -> memref<1x125xi32, #tpu.memory_space<vmem>>
        %dma_start3A_193 = tpu.memref_squeeze %dma_start3A_192 : memref<1x125xi32, #tpu.memory_space<vmem>> -> memref<125xi32, #tpu.memory_space<vmem>>
        %dma_start3A_194 = arith.constant 0 : i32
        %dma_start3A_195 = arith.constant 0 : i32
        %dma_start3A_196 = tpu.memref_slice %arg10[%dma_start3A_194, %dma_start3A_195] : memref<10000x128xf32, #tpu.memory_space<vmem_shared>> -> memref<10000x128xf32, #tpu.memory_space<vmem_shared>>
        tpu.enqueue_indirect_dma source(%arg9 : memref<125x128xf32, #tpu.memory_space<vmem>>) target(%dma_start3A_196 : memref<10000x128xf32, #tpu.memory_space<vmem_shared>>) offsets(%dma_start3A_193 : memref<125xi32, #tpu.memory_space<vmem>>) semaphore(%run_scoped3A_190 : memref<!tpu.dma_semaphore, #tpu.memory_space<semaphore_mem>>) {add = true}
        %dma_wait3A_197 = arith.constant 0 : i32
        %dma_wait3A_198 = tpu.memref_slice %arg7[%add3A_179, %dma_wait3A_197] : memref<80x125xi32, #tpu.memory_space<vmem>> -> memref<1x125xi32, #tpu.memory_space<vmem>>
        %dma_wait3A_199 = tpu.memref_squeeze %dma_wait3A_198 : memref<1x125xi32, #tpu.memory_space<vmem>> -> memref<125xi32, #tpu.memory_space<vmem>>
        %dma_wait3A_200 = arith.constant 0 : i32
        %dma_wait3A_201 = arith.constant 0 : i32
        %dma_wait3A_202 = tpu.memref_slice %arg10[%dma_wait3A_200, %dma_wait3A_201] : memref<10000x128xf32, #tpu.memory_space<vmem_shared>> -> memref<10000x128xf32, #tpu.memory_space<vmem_shared>>
        tpu.wait_indirect_dma semaphore(%run_scoped3A_190 : memref<!tpu.dma_semaphore, #tpu.memory_space<semaphore_mem>>) src(%arg9 : memref<125x128xf32, #tpu.memory_space<vmem>>) dst(%dma_wait3A_202 : memref<10000x128xf32, #tpu.memory_space<vmem_shared>>)
        tpu.yield
      }) : () -> ()
      %add3A_180 = arith.constant 2 : i32
      %add3A_181 = arith.addi %mul3A_145, %add3A_180 : i32
      %add3A_182 = arith.constant 1 : i32
      %add3A_183 = arith.addi %add3A_181, %add3A_182 : i32
      %dma_start3A_184 = arith.constant 0 : i32
      %dma_start3A_185 = tpu.memref_slice %arg6[%add3A_183, %dma_start3A_184] : memref<40x125xi32, #tpu.memory_space<vmem>> -> memref<1x125xi32, #tpu.memory_space<vmem>>
      %dma_start3A_186 = tpu.memref_squeeze %dma_start3A_185 : memref<1x125xi32, #tpu.memory_space<vmem>> -> memref<125xi32, #tpu.memory_space<vmem>>
      %dma_start3A_187 = arith.constant 0 : i32
      %dma_start3A_188 = arith.constant 0 : i32
      %dma_start3A_189 = tpu.memref_slice %arg2[%dma_start3A_187, %dma_start3A_188] : memref<10000x128xf32, #tpu.memory_space<hbm>> -> memref<10000x128xf32, #tpu.memory_space<hbm>>
      tpu.enqueue_indirect_dma source(%dma_start3A_189 : memref<10000x128xf32, #tpu.memory_space<hbm>>) target(%arg9 : memref<125x128xf32, #tpu.memory_space<vmem>>) offsets(%dma_start3A_186 : memref<125xi32, #tpu.memory_space<vmem>>) semaphore(%arg12 : memref<!tpu.dma_semaphore, #tpu.memory_space<semaphore_mem>>)
    }
    %scan3A_73 = arith.constant 19 : i32
    %dma_wait3A_74 = arith.constant 38 : i32
    %dma_wait3A_75 = arith.constant 0 : i32
    %dma_wait3A_76 = tpu.memref_slice %arg6[%dma_wait3A_74, %dma_wait3A_75] : memref<40x125xi32, #tpu.memory_space<vmem>> -> memref<1x125xi32, #tpu.memory_space<vmem>>
    %dma_wait3A_77 = tpu.memref_squeeze %dma_wait3A_76 : memref<1x125xi32, #tpu.memory_space<vmem>> -> memref<125xi32, #tpu.memory_space<vmem>>
    %dma_wait3A_78 = arith.constant 0 : i32
    %dma_wait3A_79 = arith.constant 0 : i32
    %dma_wait3A_80 = tpu.memref_slice %arg2[%dma_wait3A_78, %dma_wait3A_79] : memref<10000x128xf32, #tpu.memory_space<hbm>> -> memref<10000x128xf32, #tpu.memory_space<hbm>>
    tpu.wait_indirect_dma semaphore(%arg11 : memref<!tpu.dma_semaphore, #tpu.memory_space<semaphore_mem>>) src(%dma_wait3A_80 : memref<10000x128xf32, #tpu.memory_space<hbm>>) dst(%arg8 : memref<125x128xf32, #tpu.memory_space<vmem>>)
    %run_scoped3A_81 = arith.constant 78 : i32
    "tpu.region"() ({
      %run_scoped3A_139 = tpu.sem_alloc : memref<!tpu.dma_semaphore, #tpu.memory_space<semaphore_mem>>
      %dma_start3A_140 = arith.constant 0 : i32
      %dma_start3A_141 = tpu.memref_slice %arg7[%run_scoped3A_81, %dma_start3A_140] : memref<80x125xi32, #tpu.memory_space<vmem>> -> memref<1x125xi32, #tpu.memory_space<vmem>>
      %dma_start3A_142 = tpu.memref_squeeze %dma_start3A_141 : memref<1x125xi32, #tpu.memory_space<vmem>> -> memref<125xi32, #tpu.memory_space<vmem>>
      %dma_start3A_143 = arith.constant 0 : i32
      %dma_start3A_144 = arith.constant 0 : i32
      %dma_start3A_145 = tpu.memref_slice %arg10[%dma_start3A_143, %dma_start3A_144] : memref<10000x128xf32, #tpu.memory_space<vmem_shared>> -> memref<10000x128xf32, #tpu.memory_space<vmem_shared>>
      tpu.enqueue_indirect_dma source(%arg8 : memref<125x128xf32, #tpu.memory_space<vmem>>) target(%dma_start3A_145 : memref<10000x128xf32, #tpu.memory_space<vmem_shared>>) offsets(%dma_start3A_142 : memref<125xi32, #tpu.memory_space<vmem>>) semaphore(%run_scoped3A_139 : memref<!tpu.dma_semaphore, #tpu.memory_space<semaphore_mem>>) {add = true}
      %dma_wait3A_146 = arith.constant 0 : i32
      %dma_wait3A_147 = tpu.memref_slice %arg7[%run_scoped3A_81, %dma_wait3A_146] : memref<80x125xi32, #tpu.memory_space<vmem>> -> memref<1x125xi32, #tpu.memory_space<vmem>>
      %dma_wait3A_148 = tpu.memref_squeeze %dma_wait3A_147 : memref<1x125xi32, #tpu.memory_space<vmem>> -> memref<125xi32, #tpu.memory_space<vmem>>
      %dma_wait3A_149 = arith.constant 0 : i32
      %dma_wait3A_150 = arith.constant 0 : i32
      %dma_wait3A_151 = tpu.memref_slice %arg10[%dma_wait3A_149, %dma_wait3A_150] : memref<10000x128xf32, #tpu.memory_space<vmem_shared>> -> memref<10000x128xf32, #tpu.memory_space<vmem_shared>>
      tpu.wait_indirect_dma semaphore(%run_scoped3A_139 : memref<!tpu.dma_semaphore, #tpu.memory_space<semaphore_mem>>) src(%arg8 : memref<125x128xf32, #tpu.memory_space<vmem>>) dst(%dma_wait3A_151 : memref<10000x128xf32, #tpu.memory_space<vmem_shared>>)
      tpu.yield
    }) : () -> ()
    %dma_wait3A_82 = arith.constant 39 : i32
    %dma_wait3A_83 = arith.constant 0 : i32
    %dma_wait3A_84 = tpu.memref_slice %arg6[%dma_wait3A_82, %dma_wait3A_83] : memref<40x125xi32, #tpu.memory_space<vmem>> -> memref<1x125xi32, #tpu.memory_space<vmem>>
    %dma_wait3A_85 = tpu.memref_squeeze %dma_wait3A_84 : memref<1x125xi32, #tpu.memory_space<vmem>> -> memref<125xi32, #tpu.memory_space<vmem>>
    %dma_wait3A_86 = arith.constant 0 : i32
    %dma_wait3A_87 = arith.constant 0 : i32
    %dma_wait3A_88 = tpu.memref_slice %arg2[%dma_wait3A_86, %dma_wait3A_87] : memref<10000x128xf32, #tpu.memory_space<hbm>> -> memref<10000x128xf32, #tpu.memory_space<hbm>>
    tpu.wait_indirect_dma semaphore(%arg12 : memref<!tpu.dma_semaphore, #tpu.memory_space<semaphore_mem>>) src(%dma_wait3A_88 : memref<10000x128xf32, #tpu.memory_space<hbm>>) dst(%arg9 : memref<125x128xf32, #tpu.memory_space<vmem>>)
    %run_scoped3A_89 = arith.constant 79 : i32
    "tpu.region"() ({
      %run_scoped3A_139 = tpu.sem_alloc : memref<!tpu.dma_semaphore, #tpu.memory_space<semaphore_mem>>
      %dma_start3A_140 = arith.constant 0 : i32
      %dma_start3A_141 = tpu.memref_slice %arg7[%run_scoped3A_89, %dma_start3A_140] : memref<80x125xi32, #tpu.memory_space<vmem>> -> memref<1x125xi32, #tpu.memory_space<vmem>>
      %dma_start3A_142 = tpu.memref_squeeze %dma_start3A_141 : memref<1x125xi32, #tpu.memory_space<vmem>> -> memref<125xi32, #tpu.memory_space<vmem>>
      %dma_start3A_143 = arith.constant 0 : i32
      %dma_start3A_144 = arith.constant 0 : i32
      %dma_start3A_145 = tpu.memref_slice %arg10[%dma_start3A_143, %dma_start3A_144] : memref<10000x128xf32, #tpu.memory_space<vmem_shared>> -> memref<10000x128xf32, #tpu.memory_space<vmem_shared>>
      tpu.enqueue_indirect_dma source(%arg9 : memref<125x128xf32, #tpu.memory_space<vmem>>) target(%dma_start3A_145 : memref<10000x128xf32, #tpu.memory_space<vmem_shared>>) offsets(%dma_start3A_142 : memref<125xi32, #tpu.memory_space<vmem>>) semaphore(%run_scoped3A_139 : memref<!tpu.dma_semaphore, #tpu.memory_space<semaphore_mem>>) {add = true}
      %dma_wait3A_146 = arith.constant 0 : i32
      %dma_wait3A_147 = tpu.memref_slice %arg7[%run_scoped3A_89, %dma_wait3A_146] : memref<80x125xi32, #tpu.memory_space<vmem>> -> memref<1x125xi32, #tpu.memory_space<vmem>>
      %dma_wait3A_148 = tpu.memref_squeeze %dma_wait3A_147 : memref<1x125xi32, #tpu.memory_space<vmem>> -> memref<125xi32, #tpu.memory_space<vmem>>
      %dma_wait3A_149 = arith.constant 0 : i32
      %dma_wait3A_150 = arith.constant 0 : i32
      %dma_wait3A_151 = tpu.memref_slice %arg10[%dma_wait3A_149, %dma_wait3A_150] : memref<10000x128xf32, #tpu.memory_space<vmem_shared>> -> memref<10000x128xf32, #tpu.memory_space<vmem_shared>>
      tpu.wait_indirect_dma semaphore(%run_scoped3A_139 : memref<!tpu.dma_semaphore, #tpu.memory_space<semaphore_mem>>) src(%arg9 : memref<125x128xf32, #tpu.memory_space<vmem>>) dst(%dma_wait3A_151 : memref<10000x128xf32, #tpu.memory_space<vmem_shared>>)
      tpu.yield
    }) : () -> ()
    %barrier3A_90 = arith.constant 0 : index
    tpu.barrier barrier_id(%barrier3A_90)
    %sub3A_91 = arith.constant 125 : i32
    %sub3A_92 = arith.subi %sub3A_91, %arg1 : i32
    %sub3A_93 = arith.constant 32 : i32
    %sub3A_94 = arith.constant 1 : i32
    %sub3A_95 = arith.subi %sub3A_93, %sub3A_94 : i32
    %add3A_96 = arith.addi %sub3A_92, %sub3A_95 : i32
    %div3A_97 = arith.constant 32 : i32
    %div3A_98 = arith.divsi %add3A_96, %div3A_97 : i32
    %while3A_99 = arith.constant 32 : i32
    %while3A_100 = arith.constant 0 : i32
    %while3A_101 = arith.subi %div3A_98, %while3A_100 : i32
    %while3A_102 = arith.addi %while3A_100, %while3A_101 : i32
    %while3A_103 = arith.constant 1 : i32
    %while3A_104 = arith.divsi %while3A_101, %while3A_103 : i32
    %while3A_105 = arith.muli %while3A_104, %while3A_103 : i32
    %while3A_106 = arith.addi %while3A_100, %while3A_105 : i32
    %while3A_107 = arith.constant 1 : i32
    scf.for %while3A_139 = %while3A_100 to %while3A_106 step %while3A_107  : i32 {
      %mul3A_140 = arith.muli %while3A_139, %while3A_99 : i32
      %add3A_141 = arith.addi %arg1, %mul3A_140 : i32
      %mul3A_142 = arith.constant 80 : i32
      %mul3A_143 = arith.muli %add3A_141, %mul3A_142 : i32
      "tpu.region"() ({
        %run_scoped3A_172 = tpu.sem_alloc : memref<!tpu.dma_semaphore, #tpu.memory_space<semaphore_mem>>
        %dma_start3A_173 = arith.constant 0 : i32
        %dma_start3A_174 = arith.constant 0 : i32
        %dma_start3A_175 = tpu.memref_slice %arg8[%dma_start3A_173, %dma_start3A_174] : memref<125x128xf32, #tpu.memory_space<vmem>> -> memref<80x128xf32, #tpu.memory_space<vmem>>
        %dma_start3A_176 = arith.constant 0 : i32
        %dma_start3A_177 = tpu.memref_slice %arg10[%mul3A_143, %dma_start3A_176] : memref<10000x128xf32, #tpu.memory_space<vmem_shared>> -> memref<80x128xf32, #tpu.memory_space<vmem_shared>>
        %dma_start3A_178 = arith.constant 0 : i32
        %dma_start3A_179 = arith.constant 0 : i32
        %dma_start3A_180 = tpu.memref_slice %arg8[%dma_start3A_178, %dma_start3A_179] : memref<125x128xf32, #tpu.memory_space<vmem>> -> memref<80x128xf32, #tpu.memory_space<vmem>>
        %dma_start3A_181 = arith.constant 0 : i32
        %dma_start3A_182 = tpu.memref_slice %arg10[%mul3A_143, %dma_start3A_181] : memref<10000x128xf32, #tpu.memory_space<vmem_shared>> -> memref<80x128xf32, #tpu.memory_space<vmem_shared>>
        tpu.enqueue_dma source(%dma_start3A_182 : memref<80x128xf32, #tpu.memory_space<vmem_shared>>) target(%dma_start3A_180 : memref<80x128xf32, #tpu.memory_space<vmem>>) target_semaphore(%run_scoped3A_172 : memref<!tpu.dma_semaphore, #tpu.memory_space<semaphore_mem>>)
        %dma_wait3A_183 = arith.constant 0 : i32
        %dma_wait3A_184 = arith.constant 0 : i32
        %dma_wait3A_185 = tpu.memref_slice %arg8[%dma_wait3A_183, %dma_wait3A_184] : memref<125x128xf32, #tpu.memory_space<vmem>> -> memref<80x128xf32, #tpu.memory_space<vmem>>
        %dma_wait3A_186 = arith.constant 0 : i32
        %dma_wait3A_187 = tpu.memref_slice %arg10[%mul3A_143, %dma_wait3A_186] : memref<10000x128xf32, #tpu.memory_space<vmem_shared>> -> memref<80x128xf32, #tpu.memory_space<vmem_shared>>
        %dma_wait3A_188 = arith.constant 0 : i32
        %dma_wait3A_189 = arith.constant 0 : i32
        %dma_wait3A_190 = tpu.memref_slice %arg8[%dma_wait3A_188, %dma_wait3A_189] : memref<125x128xf32, #tpu.memory_space<vmem>> -> memref<80x128xf32, #tpu.memory_space<vmem>>
        %dma_wait3A_191 = arith.constant 0 : i32
        %dma_wait3A_192 = tpu.memref_slice %arg10[%mul3A_143, %dma_wait3A_191] : memref<10000x128xf32, #tpu.memory_space<vmem_shared>> -> memref<80x128xf32, #tpu.memory_space<vmem_shared>>
        tpu.wait_dma2 semaphore(%run_scoped3A_172 : memref<!tpu.dma_semaphore, #tpu.memory_space<semaphore_mem>>) src(%dma_wait3A_192 : memref<80x128xf32, #tpu.memory_space<vmem_shared>>) dst(%dma_wait3A_190 : memref<80x128xf32, #tpu.memory_space<vmem>>)
        tpu.yield
      }) : () -> ()
      %dma_start3A_144 = arith.constant 0 : i32
      %dma_start3A_145 = arith.constant 0 : i32
      %dma_start3A_146 = tpu.memref_slice %arg8[%dma_start3A_144, %dma_start3A_145] : memref<125x128xf32, #tpu.memory_space<vmem>> -> memref<80x128xf32, #tpu.memory_space<vmem>>
      %dma_start3A_147 = arith.constant 0 : i32
      %dma_start3A_148 = tpu.memref_slice %arg4[%arg0, %mul3A_143, %dma_start3A_147] : memref<2x10000x128xf32, #tpu.memory_space<hbm>> -> memref<1x80x128xf32, #tpu.memory_space<hbm>>
      %dma_start3A_149 = tpu.memref_squeeze %dma_start3A_148 : memref<1x80x128xf32, #tpu.memory_space<hbm>> -> memref<80x128xf32, #tpu.memory_space<hbm>>
      %dma_start3A_150 = arith.constant 0 : i32
      %dma_start3A_151 = tpu.memref_slice %arg4[%arg0, %mul3A_143, %dma_start3A_150] : memref<2x10000x128xf32, #tpu.memory_space<hbm>> -> memref<1x80x128xf32, #tpu.memory_space<hbm>>
      %dma_start3A_152 = tpu.memref_squeeze %dma_start3A_151 : memref<1x80x128xf32, #tpu.memory_space<hbm>> -> memref<80x128xf32, #tpu.memory_space<hbm>>
      %dma_start3A_153 = arith.constant 0 : i32
      %dma_start3A_154 = arith.constant 0 : i32
      %dma_start3A_155 = tpu.memref_slice %arg8[%dma_start3A_153, %dma_start3A_154] : memref<125x128xf32, #tpu.memory_space<vmem>> -> memref<80x128xf32, #tpu.memory_space<vmem>>
      tpu.enqueue_dma source(%dma_start3A_155 : memref<80x128xf32, #tpu.memory_space<vmem>>) target(%dma_start3A_152 : memref<80x128xf32, #tpu.memory_space<hbm>>) target_semaphore(%arg11 : memref<!tpu.dma_semaphore, #tpu.memory_space<semaphore_mem>>)
      %add3A_156 = arith.constant 16 : i32
      %add3A_157 = arith.addi %add3A_141, %add3A_156 : i32
      %lt3A = arith.constant 125 : i32
      %lt3A_158 = arith.cmpi slt, %add3A_157, %lt3A : i32
      %convert_element_type3A = arith.extui %lt3A_158 : i1 to i32
      %cond3A = arith.constant 0 : i32
      %cond3A_159 = arith.cmpi ne, %convert_element_type3A, %cond3A : i32
      scf.if %cond3A_159 {
        %add3A_172 = arith.constant 16 : i32
        %add3A_173 = arith.addi %add3A_141, %add3A_172 : i32
        %mul3A_174 = arith.constant 80 : i32
        %mul3A_175 = arith.muli %add3A_173, %mul3A_174 : i32
        "tpu.region"() ({
          %run_scoped3A_200 = tpu.sem_alloc : memref<!tpu.dma_semaphore, #tpu.memory_space<semaphore_mem>>
          %dma_start3A_201 = arith.constant 0 : i32
          %dma_start3A_202 = arith.constant 0 : i32
          %dma_start3A_203 = tpu.memref_slice %arg9[%dma_start3A_201, %dma_start3A_202] : memref<125x128xf32, #tpu.memory_space<vmem>> -> memref<80x128xf32, #tpu.memory_space<vmem>>
          %dma_start3A_204 = arith.constant 0 : i32
          %dma_start3A_205 = tpu.memref_slice %arg10[%mul3A_175, %dma_start3A_204] : memref<10000x128xf32, #tpu.memory_space<vmem_shared>> -> memref<80x128xf32, #tpu.memory_space<vmem_shared>>
          %dma_start3A_206 = arith.constant 0 : i32
          %dma_start3A_207 = arith.constant 0 : i32
          %dma_start3A_208 = tpu.memref_slice %arg9[%dma_start3A_206, %dma_start3A_207] : memref<125x128xf32, #tpu.memory_space<vmem>> -> memref<80x128xf32, #tpu.memory_space<vmem>>
          %dma_start3A_209 = arith.constant 0 : i32
          %dma_start3A_210 = tpu.memref_slice %arg10[%mul3A_175, %dma_start3A_209] : memref<10000x128xf32, #tpu.memory_space<vmem_shared>> -> memref<80x128xf32, #tpu.memory_space<vmem_shared>>
          tpu.enqueue_dma source(%dma_start3A_210 : memref<80x128xf32, #tpu.memory_space<vmem_shared>>) target(%dma_start3A_208 : memref<80x128xf32, #tpu.memory_space<vmem>>) target_semaphore(%run_scoped3A_200 : memref<!tpu.dma_semaphore, #tpu.memory_space<semaphore_mem>>)
          %dma_wait3A_211 = arith.constant 0 : i32
          %dma_wait3A_212 = arith.constant 0 : i32
          %dma_wait3A_213 = tpu.memref_slice %arg9[%dma_wait3A_211, %dma_wait3A_212] : memref<125x128xf32, #tpu.memory_space<vmem>> -> memref<80x128xf32, #tpu.memory_space<vmem>>
          %dma_wait3A_214 = arith.constant 0 : i32
          %dma_wait3A_215 = tpu.memref_slice %arg10[%mul3A_175, %dma_wait3A_214] : memref<10000x128xf32, #tpu.memory_space<vmem_shared>> -> memref<80x128xf32, #tpu.memory_space<vmem_shared>>
          %dma_wait3A_216 = arith.constant 0 : i32
          %dma_wait3A_217 = arith.constant 0 : i32
          %dma_wait3A_218 = tpu.memref_slice %arg9[%dma_wait3A_216, %dma_wait3A_217] : memref<125x128xf32, #tpu.memory_space<vmem>> -> memref<80x128xf32, #tpu.memory_space<vmem>>
          %dma_wait3A_219 = arith.constant 0 : i32
          %dma_wait3A_220 = tpu.memref_slice %arg10[%mul3A_175, %dma_wait3A_219] : memref<10000x128xf32, #tpu.memory_space<vmem_shared>> -> memref<80x128xf32, #tpu.memory_space<vmem_shared>>
          tpu.wait_dma2 semaphore(%run_scoped3A_200 : memref<!tpu.dma_semaphore, #tpu.memory_space<semaphore_mem>>) src(%dma_wait3A_220 : memref<80x128xf32, #tpu.memory_space<vmem_shared>>) dst(%dma_wait3A_218 : memref<80x128xf32, #tpu.memory_space<vmem>>)
          tpu.yield
        }) : () -> ()
        %dma_start3A_176 = arith.constant 0 : i32
        %dma_start3A_177 = arith.constant 0 : i32
        %dma_start3A_178 = tpu.memref_slice %arg9[%dma_start3A_176, %dma_start3A_177] : memref<125x128xf32, #tpu.memory_space<vmem>> -> memref<80x128xf32, #tpu.memory_space<vmem>>
        %dma_start3A_179 = arith.constant 0 : i32
        %dma_start3A_180 = tpu.memref_slice %arg4[%arg0, %mul3A_175, %dma_start3A_179] : memref<2x10000x128xf32, #tpu.memory_space<hbm>> -> memref<1x80x128xf32, #tpu.memory_space<hbm>>
        %dma_start3A_181 = tpu.memref_squeeze %dma_start3A_180 : memref<1x80x128xf32, #tpu.memory_space<hbm>> -> memref<80x128xf32, #tpu.memory_space<hbm>>
        %dma_start3A_182 = arith.constant 0 : i32
        %dma_start3A_183 = tpu.memref_slice %arg4[%arg0, %mul3A_175, %dma_start3A_182] : memref<2x10000x128xf32, #tpu.memory_space<hbm>> -> memref<1x80x128xf32, #tpu.memory_space<hbm>>
        %dma_start3A_184 = tpu.memref_squeeze %dma_start3A_183 : memref<1x80x128xf32, #tpu.memory_space<hbm>> -> memref<80x128xf32, #tpu.memory_space<hbm>>
        %dma_start3A_185 = arith.constant 0 : i32
        %dma_start3A_186 = arith.constant 0 : i32
        %dma_start3A_187 = tpu.memref_slice %arg9[%dma_start3A_185, %dma_start3A_186] : memref<125x128xf32, #tpu.memory_space<vmem>> -> memref<80x128xf32, #tpu.memory_space<vmem>>
        tpu.enqueue_dma source(%dma_start3A_187 : memref<80x128xf32, #tpu.memory_space<vmem>>) target(%dma_start3A_184 : memref<80x128xf32, #tpu.memory_space<hbm>>) target_semaphore(%arg12 : memref<!tpu.dma_semaphore, #tpu.memory_space<semaphore_mem>>)
        %dma_wait3A_188 = arith.constant 0 : i32
        %dma_wait3A_189 = arith.constant 0 : i32
        %dma_wait3A_190 = tpu.memref_slice %arg9[%dma_wait3A_188, %dma_wait3A_189] : memref<125x128xf32, #tpu.memory_space<vmem>> -> memref<80x128xf32, #tpu.memory_space<vmem>>
        %dma_wait3A_191 = arith.constant 0 : i32
        %dma_wait3A_192 = tpu.memref_slice %arg4[%arg0, %mul3A_175, %dma_wait3A_191] : memref<2x10000x128xf32, #tpu.memory_space<hbm>> -> memref<1x80x128xf32, #tpu.memory_space<hbm>>
        %dma_wait3A_193 = tpu.memref_squeeze %dma_wait3A_192 : memref<1x80x128xf32, #tpu.memory_space<hbm>> -> memref<80x128xf32, #tpu.memory_space<hbm>>
        %dma_wait3A_194 = arith.constant 0 : i32
        %dma_wait3A_195 = tpu.memref_slice %arg4[%arg0, %mul3A_175, %dma_wait3A_194] : memref<2x10000x128xf32, #tpu.memory_space<hbm>> -> memref<1x80x128xf32, #tpu.memory_space<hbm>>
        %dma_wait3A_196 = tpu.memref_squeeze %dma_wait3A_195 : memref<1x80x128xf32, #tpu.memory_space<hbm>> -> memref<80x128xf32, #tpu.memory_space<hbm>>
        %dma_wait3A_197 = arith.constant 0 : i32
        %dma_wait3A_198 = arith.constant 0 : i32
        %dma_wait3A_199 = tpu.memref_slice %arg9[%dma_wait3A_197, %dma_wait3A_198] : memref<125x128xf32, #tpu.memory_space<vmem>> -> memref<80x128xf32, #tpu.memory_space<vmem>>
        tpu.wait_dma2 semaphore(%arg12 : memref<!tpu.dma_semaphore, #tpu.memory_space<semaphore_mem>>) src(%dma_wait3A_199 : memref<80x128xf32, #tpu.memory_space<vmem>>) dst(%dma_wait3A_196 : memref<80x128xf32, #tpu.memory_space<hbm>>)
      } else {
      }
      %dma_wait3A_160 = arith.constant 0 : i32
      %dma_wait3A_161 = arith.constant 0 : i32
      %dma_wait3A_162 = tpu.memref_slice %arg8[%dma_wait3A_160, %dma_wait3A_161] : memref<125x128xf32, #tpu.memory_space<vmem>> -> memref<80x128xf32, #tpu.memory_space<vmem>>
      %dma_wait3A_163 = arith.constant 0 : i32
      %dma_wait3A_164 = tpu.memref_slice %arg4[%arg0, %mul3A_143, %dma_wait3A_163] : memref<2x10000x128xf32, #tpu.memory_space<hbm>> -> memref<1x80x128xf32, #tpu.memory_space<hbm>>
      %dma_wait3A_165 = tpu.memref_squeeze %dma_wait3A_164 : memref<1x80x128xf32, #tpu.memory_space<hbm>> -> memref<80x128xf32, #tpu.memory_space<hbm>>
      %dma_wait3A_166 = arith.constant 0 : i32
      %dma_wait3A_167 = tpu.memref_slice %arg4[%arg0, %mul3A_143, %dma_wait3A_166] : memref<2x10000x128xf32, #tpu.memory_space<hbm>> -> memref<1x80x128xf32, #tpu.memory_space<hbm>>
      %dma_wait3A_168 = tpu.memref_squeeze %dma_wait3A_167 : memref<1x80x128xf32, #tpu.memory_space<hbm>> -> memref<80x128xf32, #tpu.memory_space<hbm>>
      %dma_wait3A_169 = arith.constant 0 : i32
      %dma_wait3A_170 = arith.constant 0 : i32
      %dma_wait3A_171 = tpu.memref_slice %arg8[%dma_wait3A_169, %dma_wait3A_170] : memref<125x128xf32, #tpu.memory_space<vmem>> -> memref<80x128xf32, #tpu.memory_space<vmem>>
      tpu.wait_dma2 semaphore(%arg11 : memref<!tpu.dma_semaphore, #tpu.memory_space<semaphore_mem>>) src(%dma_wait3A_171 : memref<80x128xf32, #tpu.memory_space<vmem>>) dst(%dma_wait3A_168 : memref<80x128xf32, #tpu.memory_space<hbm>>)
    }
    %while3A_108 = arith.constant 1 : i32
    scf.for %while3A_139 = %while3A_106 to %while3A_102 step %while3A_108  : i32 {
      %mul3A_140 = arith.muli %while3A_139, %while3A_99 : i32
      %add3A_141 = arith.addi %arg1, %mul3A_140 : i32
      %mul3A_142 = arith.constant 80 : i32
      %mul3A_143 = arith.muli %add3A_141, %mul3A_142 : i32
      "tpu.region"() ({
        %run_scoped3A_172 = tpu.sem_alloc : memref<!tpu.dma_semaphore, #tpu.memory_space<semaphore_mem>>
        %dma_start3A_173 = arith.constant 0 : i32
        %dma_start3A_174 = arith.constant 0 : i32
        %dma_start3A_175 = tpu.memref_slice %arg8[%dma_start3A_173, %dma_start3A_174] : memref<125x128xf32, #tpu.memory_space<vmem>> -> memref<80x128xf32, #tpu.memory_space<vmem>>
        %dma_start3A_176 = arith.constant 0 : i32
        %dma_start3A_177 = tpu.memref_slice %arg10[%mul3A_143, %dma_start3A_176] : memref<10000x128xf32, #tpu.memory_space<vmem_shared>> -> memref<80x128xf32, #tpu.memory_space<vmem_shared>>
        %dma_start3A_178 = arith.constant 0 : i32
        %dma_start3A_179 = arith.constant 0 : i32
        %dma_start3A_180 = tpu.memref_slice %arg8[%dma_start3A_178, %dma_start3A_179] : memref<125x128xf32, #tpu.memory_space<vmem>> -> memref<80x128xf32, #tpu.memory_space<vmem>>
        %dma_start3A_181 = arith.constant 0 : i32
        %dma_start3A_182 = tpu.memref_slice %arg10[%mul3A_143, %dma_start3A_181] : memref<10000x128xf32, #tpu.memory_space<vmem_shared>> -> memref<80x128xf32, #tpu.memory_space<vmem_shared>>
        tpu.enqueue_dma source(%dma_start3A_182 : memref<80x128xf32, #tpu.memory_space<vmem_shared>>) target(%dma_start3A_180 : memref<80x128xf32, #tpu.memory_space<vmem>>) target_semaphore(%run_scoped3A_172 : memref<!tpu.dma_semaphore, #tpu.memory_space<semaphore_mem>>)
        %dma_wait3A_183 = arith.constant 0 : i32
        %dma_wait3A_184 = arith.constant 0 : i32
        %dma_wait3A_185 = tpu.memref_slice %arg8[%dma_wait3A_183, %dma_wait3A_184] : memref<125x128xf32, #tpu.memory_space<vmem>> -> memref<80x128xf32, #tpu.memory_space<vmem>>
        %dma_wait3A_186 = arith.constant 0 : i32
        %dma_wait3A_187 = tpu.memref_slice %arg10[%mul3A_143, %dma_wait3A_186] : memref<10000x128xf32, #tpu.memory_space<vmem_shared>> -> memref<80x128xf32, #tpu.memory_space<vmem_shared>>
        %dma_wait3A_188 = arith.constant 0 : i32
        %dma_wait3A_189 = arith.constant 0 : i32
        %dma_wait3A_190 = tpu.memref_slice %arg8[%dma_wait3A_188, %dma_wait3A_189] : memref<125x128xf32, #tpu.memory_space<vmem>> -> memref<80x128xf32, #tpu.memory_space<vmem>>
        %dma_wait3A_191 = arith.constant 0 : i32
        %dma_wait3A_192 = tpu.memref_slice %arg10[%mul3A_143, %dma_wait3A_191] : memref<10000x128xf32, #tpu.memory_space<vmem_shared>> -> memref<80x128xf32, #tpu.memory_space<vmem_shared>>
        tpu.wait_dma2 semaphore(%run_scoped3A_172 : memref<!tpu.dma_semaphore, #tpu.memory_space<semaphore_mem>>) src(%dma_wait3A_192 : memref<80x128xf32, #tpu.memory_space<vmem_shared>>) dst(%dma_wait3A_190 : memref<80x128xf32, #tpu.memory_space<vmem>>)
        tpu.yield
      }) : () -> ()
      %dma_start3A_144 = arith.constant 0 : i32
      %dma_start3A_145 = arith.constant 0 : i32
      %dma_start3A_146 = tpu.memref_slice %arg8[%dma_start3A_144, %dma_start3A_145] : memref<125x128xf32, #tpu.memory_space<vmem>> -> memref<80x128xf32, #tpu.memory_space<vmem>>
      %dma_start3A_147 = arith.constant 0 : i32
      %dma_start3A_148 = tpu.memref_slice %arg4[%arg0, %mul3A_143, %dma_start3A_147] : memref<2x10000x128xf32, #tpu.memory_space<hbm>> -> memref<1x80x128xf32, #tpu.memory_space<hbm>>
      %dma_start3A_149 = tpu.memref_squeeze %dma_start3A_148 : memref<1x80x128xf32, #tpu.memory_space<hbm>> -> memref<80x128xf32, #tpu.memory_space<hbm>>
      %dma_start3A_150 = arith.constant 0 : i32
      %dma_start3A_151 = tpu.memref_slice %arg4[%arg0, %mul3A_143, %dma_start3A_150] : memref<2x10000x128xf32, #tpu.memory_space<hbm>> -> memref<1x80x128xf32, #tpu.memory_space<hbm>>
      %dma_start3A_152 = tpu.memref_squeeze %dma_start3A_151 : memref<1x80x128xf32, #tpu.memory_space<hbm>> -> memref<80x128xf32, #tpu.memory_space<hbm>>
      %dma_start3A_153 = arith.constant 0 : i32
      %dma_start3A_154 = arith.constant 0 : i32
      %dma_start3A_155 = tpu.memref_slice %arg8[%dma_start3A_153, %dma_start3A_154] : memref<125x128xf32, #tpu.memory_space<vmem>> -> memref<80x128xf32, #tpu.memory_space<vmem>>
      tpu.enqueue_dma source(%dma_start3A_155 : memref<80x128xf32, #tpu.memory_space<vmem>>) target(%dma_start3A_152 : memref<80x128xf32, #tpu.memory_space<hbm>>) target_semaphore(%arg11 : memref<!tpu.dma_semaphore, #tpu.memory_space<semaphore_mem>>)
      %add3A_156 = arith.constant 16 : i32
      %add3A_157 = arith.addi %add3A_141, %add3A_156 : i32
      %lt3A = arith.constant 125 : i32
      %lt3A_158 = arith.cmpi slt, %add3A_157, %lt3A : i32
      %convert_element_type3A = arith.extui %lt3A_158 : i1 to i32
      %cond3A = arith.constant 0 : i32
      %cond3A_159 = arith.cmpi ne, %convert_element_type3A, %cond3A : i32
      scf.if %cond3A_159 {
        %add3A_172 = arith.constant 16 : i32
        %add3A_173 = arith.addi %add3A_141, %add3A_172 : i32
        %mul3A_174 = arith.constant 80 : i32
        %mul3A_175 = arith.muli %add3A_173, %mul3A_174 : i32
        "tpu.region"() ({
          %run_scoped3A_200 = tpu.sem_alloc : memref<!tpu.dma_semaphore, #tpu.memory_space<semaphore_mem>>
          %dma_start3A_201 = arith.constant 0 : i32
          %dma_start3A_202 = arith.constant 0 : i32
          %dma_start3A_203 = tpu.memref_slice %arg9[%dma_start3A_201, %dma_start3A_202] : memref<125x128xf32, #tpu.memory_space<vmem>> -> memref<80x128xf32, #tpu.memory_space<vmem>>
          %dma_start3A_204 = arith.constant 0 : i32
          %dma_start3A_205 = tpu.memref_slice %arg10[%mul3A_175, %dma_start3A_204] : memref<10000x128xf32, #tpu.memory_space<vmem_shared>> -> memref<80x128xf32, #tpu.memory_space<vmem_shared>>
          %dma_start3A_206 = arith.constant 0 : i32
          %dma_start3A_207 = arith.constant 0 : i32
          %dma_start3A_208 = tpu.memref_slice %arg9[%dma_start3A_206, %dma_start3A_207] : memref<125x128xf32, #tpu.memory_space<vmem>> -> memref<80x128xf32, #tpu.memory_space<vmem>>
          %dma_start3A_209 = arith.constant 0 : i32
          %dma_start3A_210 = tpu.memref_slice %arg10[%mul3A_175, %dma_start3A_209] : memref<10000x128xf32, #tpu.memory_space<vmem_shared>> -> memref<80x128xf32, #tpu.memory_space<vmem_shared>>
          tpu.enqueue_dma source(%dma_start3A_210 : memref<80x128xf32, #tpu.memory_space<vmem_shared>>) target(%dma_start3A_208 : memref<80x128xf32, #tpu.memory_space<vmem>>) target_semaphore(%run_scoped3A_200 : memref<!tpu.dma_semaphore, #tpu.memory_space<semaphore_mem>>)
          %dma_wait3A_211 = arith.constant 0 : i32
          %dma_wait3A_212 = arith.constant 0 : i32
          %dma_wait3A_213 = tpu.memref_slice %arg9[%dma_wait3A_211, %dma_wait3A_212] : memref<125x128xf32, #tpu.memory_space<vmem>> -> memref<80x128xf32, #tpu.memory_space<vmem>>
          %dma_wait3A_214 = arith.constant 0 : i32
          %dma_wait3A_215 = tpu.memref_slice %arg10[%mul3A_175, %dma_wait3A_214] : memref<10000x128xf32, #tpu.memory_space<vmem_shared>> -> memref<80x128xf32, #tpu.memory_space<vmem_shared>>
          %dma_wait3A_216 = arith.constant 0 : i32
          %dma_wait3A_217 = arith.constant 0 : i32
          %dma_wait3A_218 = tpu.memref_slice %arg9[%dma_wait3A_216, %dma_wait3A_217] : memref<125x128xf32, #tpu.memory_space<vmem>> -> memref<80x128xf32, #tpu.memory_space<vmem>>
          %dma_wait3A_219 = arith.constant 0 : i32
          %dma_wait3A_220 = tpu.memref_slice %arg10[%mul3A_175, %dma_wait3A_219] : memref<10000x128xf32, #tpu.memory_space<vmem_shared>> -> memref<80x128xf32, #tpu.memory_space<vmem_shared>>
          tpu.wait_dma2 semaphore(%run_scoped3A_200 : memref<!tpu.dma_semaphore, #tpu.memory_space<semaphore_mem>>) src(%dma_wait3A_220 : memref<80x128xf32, #tpu.memory_space<vmem_shared>>) dst(%dma_wait3A_218 : memref<80x128xf32, #tpu.memory_space<vmem>>)
          tpu.yield
        }) : () -> ()
        %dma_start3A_176 = arith.constant 0 : i32
        %dma_start3A_177 = arith.constant 0 : i32
        %dma_start3A_178 = tpu.memref_slice %arg9[%dma_start3A_176, %dma_start3A_177] : memref<125x128xf32, #tpu.memory_space<vmem>> -> memref<80x128xf32, #tpu.memory_space<vmem>>
        %dma_start3A_179 = arith.constant 0 : i32
        %dma_start3A_180 = tpu.memref_slice %arg4[%arg0, %mul3A_175, %dma_start3A_179] : memref<2x10000x128xf32, #tpu.memory_space<hbm>> -> memref<1x80x128xf32, #tpu.memory_space<hbm>>
        %dma_start3A_181 = tpu.memref_squeeze %dma_start3A_180 : memref<1x80x128xf32, #tpu.memory_space<hbm>> -> memref<80x128xf32, #tpu.memory_space<hbm>>
        %dma_start3A_182 = arith.constant 0 : i32
        %dma_start3A_183 = tpu.memref_slice %arg4[%arg0, %mul3A_175, %dma_start3A_182] : memref<2x10000x128xf32, #tpu.memory_space<hbm>> -> memref<1x80x128xf32, #tpu.memory_space<hbm>>
        %dma_start3A_184 = tpu.memref_squeeze %dma_start3A_183 : memref<1x80x128xf32, #tpu.memory_space<hbm>> -> memref<80x128xf32, #tpu.memory_space<hbm>>
        %dma_start3A_185 = arith.constant 0 : i32
        %dma_start3A_186 = arith.constant 0 : i32
        %dma_start3A_187 = tpu.memref_slice %arg9[%dma_start3A_185, %dma_start3A_186] : memref<125x128xf32, #tpu.memory_space<vmem>> -> memref<80x128xf32, #tpu.memory_space<vmem>>
        tpu.enqueue_dma source(%dma_start3A_187 : memref<80x128xf32, #tpu.memory_space<vmem>>) target(%dma_start3A_184 : memref<80x128xf32, #tpu.memory_space<hbm>>) target_semaphore(%arg12 : memref<!tpu.dma_semaphore, #tpu.memory_space<semaphore_mem>>)
        %dma_wait3A_188 = arith.constant 0 : i32
        %dma_wait3A_189 = arith.constant 0 : i32
        %dma_wait3A_190 = tpu.memref_slice %arg9[%dma_wait3A_188, %dma_wait3A_189] : memref<125x128xf32, #tpu.memory_space<vmem>> -> memref<80x128xf32, #tpu.memory_space<vmem>>
        %dma_wait3A_191 = arith.constant 0 : i32
        %dma_wait3A_192 = tpu.memref_slice %arg4[%arg0, %mul3A_175, %dma_wait3A_191] : memref<2x10000x128xf32, #tpu.memory_space<hbm>> -> memref<1x80x128xf32, #tpu.memory_space<hbm>>
        %dma_wait3A_193 = tpu.memref_squeeze %dma_wait3A_192 : memref<1x80x128xf32, #tpu.memory_space<hbm>> -> memref<80x128xf32, #tpu.memory_space<hbm>>
        %dma_wait3A_194 = arith.constant 0 : i32
        %dma_wait3A_195 = tpu.memref_slice %arg4[%arg0, %mul3A_175, %dma_wait3A_194] : memref<2x10000x128xf32, #tpu.memory_space<hbm>> -> memref<1x80x128xf32, #tpu.memory_space<hbm>>
        %dma_wait3A_196 = tpu.memref_squeeze %dma_wait3A_195 : memref<1x80x128xf32, #tpu.memory_space<hbm>> -> memref<80x128xf32, #tpu.memory_space<hbm>>
        %dma_wait3A_197 = arith.constant 0 : i32
        %dma_wait3A_198 = arith.constant 0 : i32
        %dma_wait3A_199 = tpu.memref_slice %arg9[%dma_wait3A_197, %dma_wait3A_198] : memref<125x128xf32, #tpu.memory_space<vmem>> -> memref<80x128xf32, #tpu.memory_space<vmem>>
        tpu.wait_dma2 semaphore(%arg12 : memref<!tpu.dma_semaphore, #tpu.memory_space<semaphore_mem>>) src(%dma_wait3A_199 : memref<80x128xf32, #tpu.memory_space<vmem>>) dst(%dma_wait3A_196 : memref<80x128xf32, #tpu.memory_space<hbm>>)
      } else {
      }
      %dma_wait3A_160 = arith.constant 0 : i32
      %dma_wait3A_161 = arith.constant 0 : i32
      %dma_wait3A_162 = tpu.memref_slice %arg8[%dma_wait3A_160, %dma_wait3A_161] : memref<125x128xf32, #tpu.memory_space<vmem>> -> memref<80x128xf32, #tpu.memory_space<vmem>>
      %dma_wait3A_163 = arith.constant 0 : i32
      %dma_wait3A_164 = tpu.memref_slice %arg4[%arg0, %mul3A_143, %dma_wait3A_163] : memref<2x10000x128xf32, #tpu.memory_space<hbm>> -> memref<1x80x128xf32, #tpu.memory_space<hbm>>
      %dma_wait3A_165 = tpu.memref_squeeze %dma_wait3A_164 : memref<1x80x128xf32, #tpu.memory_space<hbm>> -> memref<80x128xf32, #tpu.memory_space<hbm>>
      %dma_wait3A_166 = arith.constant 0 : i32
      %dma_wait3A_167 = tpu.memref_slice %arg4[%arg0, %mul3A_143, %dma_wait3A_166] : memref<2x10000x128xf32, #tpu.memory_space<hbm>> -> memref<1x80x128xf32, #tpu.memory_space<hbm>>
      %dma_wait3A_168 = tpu.memref_squeeze %dma_wait3A_167 : memref<1x80x128xf32, #tpu.memory_space<hbm>> -> memref<80x128xf32, #tpu.memory_space<hbm>>
      %dma_wait3A_169 = arith.constant 0 : i32
      %dma_wait3A_170 = arith.constant 0 : i32
      %dma_wait3A_171 = tpu.memref_slice %arg8[%dma_wait3A_169, %dma_wait3A_170] : memref<125x128xf32, #tpu.memory_space<vmem>> -> memref<80x128xf32, #tpu.memory_space<vmem>>
      tpu.wait_dma2 semaphore(%arg11 : memref<!tpu.dma_semaphore, #tpu.memory_space<semaphore_mem>>) src(%dma_wait3A_171 : memref<80x128xf32, #tpu.memory_space<vmem>>) dst(%dma_wait3A_168 : memref<80x128xf32, #tpu.memory_space<hbm>>)
    }
    %barrier3A_109 = arith.constant 0 : index
    tpu.barrier barrier_id(%barrier3A_109)
    %scan3A_110 = arith.constant 0 : i32
    %scan3A_111 = arith.constant 125 : i32
    %scan3A_112 = arith.addi %scan3A_110, %scan3A_111 : i32
    %scan3A_113 = arith.constant 1 : i32
    scf.for %scan3A_139 = %scan3A_110 to %scan3A_112 step %scan3A_113  : i32 {
      %mul3A_140 = arith.constant 1 : i32
      %mul3A_141 = arith.muli %scan3A_139, %mul3A_140 : i32
      %add3A_142 = arith.constant 0 : i32
      %add3A_143 = arith.addi %add3A_142, %mul3A_141 : i32
      %broadcast_in_dim3A = arith.constant 1.000000e+00 : f32
      %broadcast_in_dim3A_144 = vector.broadcast %broadcast_in_dim3A : f32 to vector<16xf32>
      %swap3A = arith.index_cast %add3A_143 : i32 to index
      %swap3A_145 = arith.constant 0 : index
      %swap3A_146 = tpu.vector_load %arg8[%swap3A, %swap3A_145] {strides = array<i32>} : memref<125x128xf32, #tpu.memory_space<vmem>>, vector<1x16xf32>,
      %swap3A_147 = vector.shape_cast %swap3A_146 : vector<1x16xf32> to vector<16xf32>
      %swap3A_148 = vector.shape_cast %broadcast_in_dim3A_144 : vector<16xf32> to vector<1x16xf32>
      tpu.vector_store %arg8[%swap3A, %swap3A_145], %swap3A_148 {strides = array<i32>} : memref<125x128xf32, #tpu.memory_space<vmem>>, vector<1x16xf32>,
      %broadcast_in_dim3A_149 = arith.constant 1.000000e+00 : f32
      %broadcast_in_dim3A_150 = vector.broadcast %broadcast_in_dim3A_149 : f32 to vector<16xf32>
      %swap3A_151 = arith.index_cast %add3A_143 : i32 to index
      %swap3A_152 = arith.constant 16 : index
      %swap3A_153 = tpu.vector_load %arg8[%swap3A_151, %swap3A_152] {strides = array<i32>} : memref<125x128xf32, #tpu.memory_space<vmem>>, vector<1x16xf32>,
      %swap3A_154 = vector.shape_cast %swap3A_153 : vector<1x16xf32> to vector<16xf32>
      %swap3A_155 = vector.shape_cast %broadcast_in_dim3A_150 : vector<16xf32> to vector<1x16xf32>
      tpu.vector_store %arg8[%swap3A_151, %swap3A_152], %swap3A_155 {strides = array<i32>} : memref<125x128xf32, #tpu.memory_space<vmem>>, vector<1x16xf32>,
      %broadcast_in_dim3A_156 = arith.constant 1.000000e+00 : f32
      %broadcast_in_dim3A_157 = vector.broadcast %broadcast_in_dim3A_156 : f32 to vector<16xf32>
      %swap3A_158 = arith.index_cast %add3A_143 : i32 to index
      %swap3A_159 = arith.constant 32 : index
      %swap3A_160 = tpu.vector_load %arg8[%swap3A_158, %swap3A_159] {strides = array<i32>} : memref<125x128xf32, #tpu.memory_space<vmem>>, vector<1x16xf32>,
      %swap3A_161 = vector.shape_cast %swap3A_160 : vector<1x16xf32> to vector<16xf32>
      %swap3A_162 = vector.shape_cast %broadcast_in_dim3A_157 : vector<16xf32> to vector<1x16xf32>
      tpu.vector_store %arg8[%swap3A_158, %swap3A_159], %swap3A_162 {strides = array<i32>} : memref<125x128xf32, #tpu.memory_space<vmem>>, vector<1x16xf32>,
      %broadcast_in_dim3A_163 = arith.constant 1.000000e+00 : f32
      %broadcast_in_dim3A_164 = vector.broadcast %broadcast_in_dim3A_163 : f32 to vector<16xf32>
      %swap3A_165 = arith.index_cast %add3A_143 : i32 to index
      %swap3A_166 = arith.constant 48 : index
      %swap3A_167 = tpu.vector_load %arg8[%swap3A_165, %swap3A_166] {strides = array<i32>} : memref<125x128xf32, #tpu.memory_space<vmem>>, vector<1x16xf32>,
      %swap3A_168 = vector.shape_cast %swap3A_167 : vector<1x16xf32> to vector<16xf32>
      %swap3A_169 = vector.shape_cast %broadcast_in_dim3A_164 : vector<16xf32> to vector<1x16xf32>
      tpu.vector_store %arg8[%swap3A_165, %swap3A_166], %swap3A_169 {strides = array<i32>} : memref<125x128xf32, #tpu.memory_space<vmem>>, vector<1x16xf32>,
      %broadcast_in_dim3A_170 = arith.constant 1.000000e+00 : f32
      %broadcast_in_dim3A_171 = vector.broadcast %broadcast_in_dim3A_170 : f32 to vector<16xf32>
      %swap3A_172 = arith.index_cast %add3A_143 : i32 to index
      %swap3A_173 = arith.constant 64 : index
      %swap3A_174 = tpu.vector_load %arg8[%swap3A_172, %swap3A_173] {strides = array<i32>} : memref<125x128xf32, #tpu.memory_space<vmem>>, vector<1x16xf32>,
      %swap3A_175 = vector.shape_cast %swap3A_174 : vector<1x16xf32> to vector<16xf32>
      %swap3A_176 = vector.shape_cast %broadcast_in_dim3A_171 : vector<16xf32> to vector<1x16xf32>
      tpu.vector_store %arg8[%swap3A_172, %swap3A_173], %swap3A_176 {strides = array<i32>} : memref<125x128xf32, #tpu.memory_space<vmem>>, vector<1x16xf32>,
      %broadcast_in_dim3A_177 = arith.constant 1.000000e+00 : f32
      %broadcast_in_dim3A_178 = vector.broadcast %broadcast_in_dim3A_177 : f32 to vector<16xf32>
      %swap3A_179 = arith.index_cast %add3A_143 : i32 to index
      %swap3A_180 = arith.constant 80 : index
      %swap3A_181 = tpu.vector_load %arg8[%swap3A_179, %swap3A_180] {strides = array<i32>} : memref<125x128xf32, #tpu.memory_space<vmem>>, vector<1x16xf32>,
      %swap3A_182 = vector.shape_cast %swap3A_181 : vector<1x16xf32> to vector<16xf32>
      %swap3A_183 = vector.shape_cast %broadcast_in_dim3A_178 : vector<16xf32> to vector<1x16xf32>
      tpu.vector_store %arg8[%swap3A_179, %swap3A_180], %swap3A_183 {strides = array<i32>} : memref<125x128xf32, #tpu.memory_space<vmem>>, vector<1x16xf32>,
      %broadcast_in_dim3A_184 = arith.constant 1.000000e+00 : f32
      %broadcast_in_dim3A_185 = vector.broadcast %broadcast_in_dim3A_184 : f32 to vector<16xf32>
      %swap3A_186 = arith.index_cast %add3A_143 : i32 to index
      %swap3A_187 = arith.constant 96 : index
      %swap3A_188 = tpu.vector_load %arg8[%swap3A_186, %swap3A_187] {strides = array<i32>} : memref<125x128xf32, #tpu.memory_space<vmem>>, vector<1x16xf32>,
      %swap3A_189 = vector.shape_cast %swap3A_188 : vector<1x16xf32> to vector<16xf32>
      %swap3A_190 = vector.shape_cast %broadcast_in_dim3A_185 : vector<16xf32> to vector<1x16xf32>
      tpu.vector_store %arg8[%swap3A_186, %swap3A_187], %swap3A_190 {strides = array<i32>} : memref<125x128xf32, #tpu.memory_space<vmem>>, vector<1x16xf32>,
      %broadcast_in_dim3A_191 = arith.constant 1.000000e+00 : f32
      %broadcast_in_dim3A_192 = vector.broadcast %broadcast_in_dim3A_191 : f32 to vector<16xf32>
      %swap3A_193 = arith.index_cast %add3A_143 : i32 to index
      %swap3A_194 = arith.constant 112 : index
      %swap3A_195 = tpu.vector_load %arg8[%swap3A_193, %swap3A_194] {strides = array<i32>} : memref<125x128xf32, #tpu.memory_space<vmem>>, vector<1x16xf32>,
      %swap3A_196 = vector.shape_cast %swap3A_195 : vector<1x16xf32> to vector<16xf32>
      %swap3A_197 = vector.shape_cast %broadcast_in_dim3A_192 : vector<16xf32> to vector<1x16xf32>
      tpu.vector_store %arg8[%swap3A_193, %swap3A_194], %swap3A_197 {strides = array<i32>} : memref<125x128xf32, #tpu.memory_space<vmem>>, vector<1x16xf32>,
    }
    %scan3A_114 = arith.constant 125 : i32
    %scan3A_115 = arith.constant 0 : i32
    %scan3A_116 = arith.constant 80 : i32
    %scan3A_117 = arith.addi %scan3A_115, %scan3A_116 : i32
    %scan3A_118 = arith.constant 1 : i32
    scf.for %scan3A_139 = %scan3A_115 to %scan3A_117 step %scan3A_118  : i32 {
      %mul3A_140 = arith.constant 1 : i32
      %mul3A_141 = arith.muli %scan3A_139, %mul3A_140 : i32
      %add3A_142 = arith.constant 0 : i32
      %add3A_143 = arith.addi %add3A_142, %mul3A_141 : i32
      "tpu.region"() ({
        %run_scoped3A_144 = tpu.sem_alloc : memref<!tpu.dma_semaphore, #tpu.memory_space<semaphore_mem>>
        %dma_start3A_145 = arith.constant 0 : i32
        %dma_start3A_146 = tpu.memref_slice %arg7[%add3A_143, %dma_start3A_145] : memref<80x125xi32, #tpu.memory_space<vmem>> -> memref<1x125xi32, #tpu.memory_space<vmem>>
        %dma_start3A_147 = tpu.memref_squeeze %dma_start3A_146 : memref<1x125xi32, #tpu.memory_space<vmem>> -> memref<125xi32, #tpu.memory_space<vmem>>
        %dma_start3A_148 = arith.constant 0 : i32
        %dma_start3A_149 = arith.constant 0 : i32
        %dma_start3A_150 = tpu.memref_slice %arg10[%dma_start3A_148, %dma_start3A_149] : memref<10000x128xf32, #tpu.memory_space<vmem_shared>> -> memref<10000x128xf32, #tpu.memory_space<vmem_shared>>
        tpu.enqueue_indirect_dma source(%arg8 : memref<125x128xf32, #tpu.memory_space<vmem>>) target(%dma_start3A_150 : memref<10000x128xf32, #tpu.memory_space<vmem_shared>>) offsets(%dma_start3A_147 : memref<125xi32, #tpu.memory_space<vmem>>) semaphore(%run_scoped3A_144 : memref<!tpu.dma_semaphore, #tpu.memory_space<semaphore_mem>>) {add = true}
        %dma_wait3A_151 = arith.constant 0 : i32
        %dma_wait3A_152 = tpu.memref_slice %arg7[%add3A_143, %dma_wait3A_151] : memref<80x125xi32, #tpu.memory_space<vmem>> -> memref<1x125xi32, #tpu.memory_space<vmem>>
        %dma_wait3A_153 = tpu.memref_squeeze %dma_wait3A_152 : memref<1x125xi32, #tpu.memory_space<vmem>> -> memref<125xi32, #tpu.memory_space<vmem>>
        %dma_wait3A_154 = arith.constant 0 : i32
        %dma_wait3A_155 = arith.constant 0 : i32
        %dma_wait3A_156 = tpu.memref_slice %arg10[%dma_wait3A_154, %dma_wait3A_155] : memref<10000x128xf32, #tpu.memory_space<vmem_shared>> -> memref<10000x128xf32, #tpu.memory_space<vmem_shared>>
        tpu.wait_indirect_dma semaphore(%run_scoped3A_144 : memref<!tpu.dma_semaphore, #tpu.memory_space<semaphore_mem>>) src(%arg8 : memref<125x128xf32, #tpu.memory_space<vmem>>) dst(%dma_wait3A_156 : memref<10000x128xf32, #tpu.memory_space<vmem_shared>>)
        tpu.yield
      }) : () -> ()
    }
    %scan3A_119 = arith.constant 80 : i32
    %barrier3A_120 = arith.constant 0 : index
    tpu.barrier barrier_id(%barrier3A_120)
    %sub3A_121 = arith.constant 125 : i32
    %sub3A_122 = arith.subi %sub3A_121, %arg1 : i32
    %sub3A_123 = arith.constant 32 : i32
    %sub3A_124 = arith.constant 1 : i32
    %sub3A_125 = arith.subi %sub3A_123, %sub3A_124 : i32
    %add3A_126 = arith.addi %sub3A_122, %sub3A_125 : i32
    %div3A_127 = arith.constant 32 : i32
    %div3A_128 = arith.divsi %add3A_126, %div3A_127 : i32
    %while3A_129 = arith.constant 32 : i32
    %while3A_130 = arith.constant 0 : i32
    %while3A_131 = arith.subi %div3A_128, %while3A_130 : i32
    %while3A_132 = arith.addi %while3A_130, %while3A_131 : i32
    %while3A_133 = arith.constant 1 : i32
    %while3A_134 = arith.divsi %while3A_131, %while3A_133 : i32
    %while3A_135 = arith.muli %while3A_134, %while3A_133 : i32
    %while3A_136 = arith.addi %while3A_130, %while3A_135 : i32
    %while3A_137 = arith.constant 1 : i32
    scf.for %while3A_139 = %while3A_130 to %while3A_136 step %while3A_137  : i32 {
      %mul3A_140 = arith.muli %while3A_139, %while3A_129 : i32
      %add3A_141 = arith.addi %arg1, %mul3A_140 : i32
      %mul3A_142 = arith.constant 80 : i32
      %mul3A_143 = arith.muli %add3A_141, %mul3A_142 : i32
      "tpu.region"() ({
        %run_scoped3A_172 = tpu.sem_alloc : memref<!tpu.dma_semaphore, #tpu.memory_space<semaphore_mem>>
        %dma_start3A_173 = arith.constant 0 : i32
        %dma_start3A_174 = arith.constant 0 : i32
        %dma_start3A_175 = tpu.memref_slice %arg8[%dma_start3A_173, %dma_start3A_174] : memref<125x128xf32, #tpu.memory_space<vmem>> -> memref<80x128xf32, #tpu.memory_space<vmem>>
        %dma_start3A_176 = arith.constant 0 : i32
        %dma_start3A_177 = tpu.memref_slice %arg10[%mul3A_143, %dma_start3A_176] : memref<10000x128xf32, #tpu.memory_space<vmem_shared>> -> memref<80x128xf32, #tpu.memory_space<vmem_shared>>
        %dma_start3A_178 = arith.constant 0 : i32
        %dma_start3A_179 = arith.constant 0 : i32
        %dma_start3A_180 = tpu.memref_slice %arg8[%dma_start3A_178, %dma_start3A_179] : memref<125x128xf32, #tpu.memory_space<vmem>> -> memref<80x128xf32, #tpu.memory_space<vmem>>
        %dma_start3A_181 = arith.constant 0 : i32
        %dma_start3A_182 = tpu.memref_slice %arg10[%mul3A_143, %dma_start3A_181] : memref<10000x128xf32, #tpu.memory_space<vmem_shared>> -> memref<80x128xf32, #tpu.memory_space<vmem_shared>>
        tpu.enqueue_dma source(%dma_start3A_182 : memref<80x128xf32, #tpu.memory_space<vmem_shared>>) target(%dma_start3A_180 : memref<80x128xf32, #tpu.memory_space<vmem>>) target_semaphore(%run_scoped3A_172 : memref<!tpu.dma_semaphore, #tpu.memory_space<semaphore_mem>>)
        %dma_wait3A_183 = arith.constant 0 : i32
        %dma_wait3A_184 = arith.constant 0 : i32
        %dma_wait3A_185 = tpu.memref_slice %arg8[%dma_wait3A_183, %dma_wait3A_184] : memref<125x128xf32, #tpu.memory_space<vmem>> -> memref<80x128xf32, #tpu.memory_space<vmem>>
        %dma_wait3A_186 = arith.constant 0 : i32
        %dma_wait3A_187 = tpu.memref_slice %arg10[%mul3A_143, %dma_wait3A_186] : memref<10000x128xf32, #tpu.memory_space<vmem_shared>> -> memref<80x128xf32, #tpu.memory_space<vmem_shared>>
        %dma_wait3A_188 = arith.constant 0 : i32
        %dma_wait3A_189 = arith.constant 0 : i32
        %dma_wait3A_190 = tpu.memref_slice %arg8[%dma_wait3A_188, %dma_wait3A_189] : memref<125x128xf32, #tpu.memory_space<vmem>> -> memref<80x128xf32, #tpu.memory_space<vmem>>
        %dma_wait3A_191 = arith.constant 0 : i32
        %dma_wait3A_192 = tpu.memref_slice %arg10[%mul3A_143, %dma_wait3A_191] : memref<10000x128xf32, #tpu.memory_space<vmem_shared>> -> memref<80x128xf32, #tpu.memory_space<vmem_shared>>
        tpu.wait_dma2 semaphore(%run_scoped3A_172 : memref<!tpu.dma_semaphore, #tpu.memory_space<semaphore_mem>>) src(%dma_wait3A_192 : memref<80x128xf32, #tpu.memory_space<vmem_shared>>) dst(%dma_wait3A_190 : memref<80x128xf32, #tpu.memory_space<vmem>>)
        tpu.yield
      }) : () -> ()
      %dma_start3A_144 = arith.constant 0 : i32
      %dma_start3A_145 = arith.constant 0 : i32
      %dma_start3A_146 = tpu.memref_slice %arg8[%dma_start3A_144, %dma_start3A_145] : memref<125x128xf32, #tpu.memory_space<vmem>> -> memref<80x128xf32, #tpu.memory_space<vmem>>
      %dma_start3A_147 = arith.constant 0 : i32
      %dma_start3A_148 = tpu.memref_slice %arg5[%arg0, %mul3A_143, %dma_start3A_147] : memref<2x10000x128xf32, #tpu.memory_space<hbm>> -> memref<1x80x128xf32, #tpu.memory_space<hbm>>
      %dma_start3A_149 = tpu.memref_squeeze %dma_start3A_148 : memref<1x80x128xf32, #tpu.memory_space<hbm>> -> memref<80x128xf32, #tpu.memory_space<hbm>>
      %dma_start3A_150 = arith.constant 0 : i32
      %dma_start3A_151 = tpu.memref_slice %arg5[%arg0, %mul3A_143, %dma_start3A_150] : memref<2x10000x128xf32, #tpu.memory_space<hbm>> -> memref<1x80x128xf32, #tpu.memory_space<hbm>>
      %dma_start3A_152 = tpu.memref_squeeze %dma_start3A_151 : memref<1x80x128xf32, #tpu.memory_space<hbm>> -> memref<80x128xf32, #tpu.memory_space<hbm>>
      %dma_start3A_153 = arith.constant 0 : i32
      %dma_start3A_154 = arith.constant 0 : i32
      %dma_start3A_155 = tpu.memref_slice %arg8[%dma_start3A_153, %dma_start3A_154] : memref<125x128xf32, #tpu.memory_space<vmem>> -> memref<80x128xf32, #tpu.memory_space<vmem>>
      tpu.enqueue_dma source(%dma_start3A_155 : memref<80x128xf32, #tpu.memory_space<vmem>>) target(%dma_start3A_152 : memref<80x128xf32, #tpu.memory_space<hbm>>) target_semaphore(%arg11 : memref<!tpu.dma_semaphore, #tpu.memory_space<semaphore_mem>>)
      %add3A_156 = arith.constant 16 : i32
      %add3A_157 = arith.addi %add3A_141, %add3A_156 : i32
      %lt3A = arith.constant 125 : i32
      %lt3A_158 = arith.cmpi slt, %add3A_157, %lt3A : i32
      %convert_element_type3A = arith.extui %lt3A_158 : i1 to i32
      %cond3A = arith.constant 0 : i32
      %cond3A_159 = arith.cmpi ne, %convert_element_type3A, %cond3A : i32
      scf.if %cond3A_159 {
        %add3A_172 = arith.constant 16 : i32
        %add3A_173 = arith.addi %add3A_141, %add3A_172 : i32
        %mul3A_174 = arith.constant 80 : i32
        %mul3A_175 = arith.muli %add3A_173, %mul3A_174 : i32
        "tpu.region"() ({
          %run_scoped3A_200 = tpu.sem_alloc : memref<!tpu.dma_semaphore, #tpu.memory_space<semaphore_mem>>
          %dma_start3A_201 = arith.constant 0 : i32
          %dma_start3A_202 = arith.constant 0 : i32
          %dma_start3A_203 = tpu.memref_slice %arg9[%dma_start3A_201, %dma_start3A_202] : memref<125x128xf32, #tpu.memory_space<vmem>> -> memref<80x128xf32, #tpu.memory_space<vmem>>
          %dma_start3A_204 = arith.constant 0 : i32
          %dma_start3A_205 = tpu.memref_slice %arg10[%mul3A_175, %dma_start3A_204] : memref<10000x128xf32, #tpu.memory_space<vmem_shared>> -> memref<80x128xf32, #tpu.memory_space<vmem_shared>>
          %dma_start3A_206 = arith.constant 0 : i32
          %dma_start3A_207 = arith.constant 0 : i32
          %dma_start3A_208 = tpu.memref_slice %arg9[%dma_start3A_206, %dma_start3A_207] : memref<125x128xf32, #tpu.memory_space<vmem>> -> memref<80x128xf32, #tpu.memory_space<vmem>>
          %dma_start3A_209 = arith.constant 0 : i32
          %dma_start3A_210 = tpu.memref_slice %arg10[%mul3A_175, %dma_start3A_209] : memref<10000x128xf32, #tpu.memory_space<vmem_shared>> -> memref<80x128xf32, #tpu.memory_space<vmem_shared>>
          tpu.enqueue_dma source(%dma_start3A_210 : memref<80x128xf32, #tpu.memory_space<vmem_shared>>) target(%dma_start3A_208 : memref<80x128xf32, #tpu.memory_space<vmem>>) target_semaphore(%run_scoped3A_200 : memref<!tpu.dma_semaphore, #tpu.memory_space<semaphore_mem>>)
          %dma_wait3A_211 = arith.constant 0 : i32
          %dma_wait3A_212 = arith.constant 0 : i32
          %dma_wait3A_213 = tpu.memref_slice %arg9[%dma_wait3A_211, %dma_wait3A_212] : memref<125x128xf32, #tpu.memory_space<vmem>> -> memref<80x128xf32, #tpu.memory_space<vmem>>
          %dma_wait3A_214 = arith.constant 0 : i32
          %dma_wait3A_215 = tpu.memref_slice %arg10[%mul3A_175, %dma_wait3A_214] : memref<10000x128xf32, #tpu.memory_space<vmem_shared>> -> memref<80x128xf32, #tpu.memory_space<vmem_shared>>
          %dma_wait3A_216 = arith.constant 0 : i32
          %dma_wait3A_217 = arith.constant 0 : i32
          %dma_wait3A_218 = tpu.memref_slice %arg9[%dma_wait3A_216, %dma_wait3A_217] : memref<125x128xf32, #tpu.memory_space<vmem>> -> memref<80x128xf32, #tpu.memory_space<vmem>>
          %dma_wait3A_219 = arith.constant 0 : i32
          %dma_wait3A_220 = tpu.memref_slice %arg10[%mul3A_175, %dma_wait3A_219] : memref<10000x128xf32, #tpu.memory_space<vmem_shared>> -> memref<80x128xf32, #tpu.memory_space<vmem_shared>>
          tpu.wait_dma2 semaphore(%run_scoped3A_200 : memref<!tpu.dma_semaphore, #tpu.memory_space<semaphore_mem>>) src(%dma_wait3A_220 : memref<80x128xf32, #tpu.memory_space<vmem_shared>>) dst(%dma_wait3A_218 : memref<80x128xf32, #tpu.memory_space<vmem>>)
          tpu.yield
        }) : () -> ()
        %dma_start3A_176 = arith.constant 0 : i32
        %dma_start3A_177 = arith.constant 0 : i32
        %dma_start3A_178 = tpu.memref_slice %arg9[%dma_start3A_176, %dma_start3A_177] : memref<125x128xf32, #tpu.memory_space<vmem>> -> memref<80x128xf32, #tpu.memory_space<vmem>>
        %dma_start3A_179 = arith.constant 0 : i32
        %dma_start3A_180 = tpu.memref_slice %arg5[%arg0, %mul3A_175, %dma_start3A_179] : memref<2x10000x128xf32, #tpu.memory_space<hbm>> -> memref<1x80x128xf32, #tpu.memory_space<hbm>>
        %dma_start3A_181 = tpu.memref_squeeze %dma_start3A_180 : memref<1x80x128xf32, #tpu.memory_space<hbm>> -> memref<80x128xf32, #tpu.memory_space<hbm>>
        %dma_start3A_182 = arith.constant 0 : i32
        %dma_start3A_183 = tpu.memref_slice %arg5[%arg0, %mul3A_175, %dma_start3A_182] : memref<2x10000x128xf32, #tpu.memory_space<hbm>> -> memref<1x80x128xf32, #tpu.memory_space<hbm>>
        %dma_start3A_184 = tpu.memref_squeeze %dma_start3A_183 : memref<1x80x128xf32, #tpu.memory_space<hbm>> -> memref<80x128xf32, #tpu.memory_space<hbm>>
        %dma_start3A_185 = arith.constant 0 : i32
        %dma_start3A_186 = arith.constant 0 : i32
        %dma_start3A_187 = tpu.memref_slice %arg9[%dma_start3A_185, %dma_start3A_186] : memref<125x128xf32, #tpu.memory_space<vmem>> -> memref<80x128xf32, #tpu.memory_space<vmem>>
        tpu.enqueue_dma source(%dma_start3A_187 : memref<80x128xf32, #tpu.memory_space<vmem>>) target(%dma_start3A_184 : memref<80x128xf32, #tpu.memory_space<hbm>>) target_semaphore(%arg12 : memref<!tpu.dma_semaphore, #tpu.memory_space<semaphore_mem>>)
        %dma_wait3A_188 = arith.constant 0 : i32
        %dma_wait3A_189 = arith.constant 0 : i32
        %dma_wait3A_190 = tpu.memref_slice %arg9[%dma_wait3A_188, %dma_wait3A_189] : memref<125x128xf32, #tpu.memory_space<vmem>> -> memref<80x128xf32, #tpu.memory_space<vmem>>
        %dma_wait3A_191 = arith.constant 0 : i32
        %dma_wait3A_192 = tpu.memref_slice %arg5[%arg0, %mul3A_175, %dma_wait3A_191] : memref<2x10000x128xf32, #tpu.memory_space<hbm>> -> memref<1x80x128xf32, #tpu.memory_space<hbm>>
        %dma_wait3A_193 = tpu.memref_squeeze %dma_wait3A_192 : memref<1x80x128xf32, #tpu.memory_space<hbm>> -> memref<80x128xf32, #tpu.memory_space<hbm>>
        %dma_wait3A_194 = arith.constant 0 : i32
        %dma_wait3A_195 = tpu.memref_slice %arg5[%arg0, %mul3A_175, %dma_wait3A_194] : memref<2x10000x128xf32, #tpu.memory_space<hbm>> -> memref<1x80x128xf32, #tpu.memory_space<hbm>>
        %dma_wait3A_196 = tpu.memref_squeeze %dma_wait3A_195 : memref<1x80x128xf32, #tpu.memory_space<hbm>> -> memref<80x128xf32, #tpu.memory_space<hbm>>
        %dma_wait3A_197 = arith.constant 0 : i32
        %dma_wait3A_198 = arith.constant 0 : i32
        %dma_wait3A_199 = tpu.memref_slice %arg9[%dma_wait3A_197, %dma_wait3A_198] : memref<125x128xf32, #tpu.memory_space<vmem>> -> memref<80x128xf32, #tpu.memory_space<vmem>>
        tpu.wait_dma2 semaphore(%arg12 : memref<!tpu.dma_semaphore, #tpu.memory_space<semaphore_mem>>) src(%dma_wait3A_199 : memref<80x128xf32, #tpu.memory_space<vmem>>) dst(%dma_wait3A_196 : memref<80x128xf32, #tpu.memory_space<hbm>>)
      } else {
      }
      %dma_wait3A_160 = arith.constant 0 : i32
      %dma_wait3A_161 = arith.constant 0 : i32
      %dma_wait3A_162 = tpu.memref_slice %arg8[%dma_wait3A_160, %dma_wait3A_161] : memref<125x128xf32, #tpu.memory_space<vmem>> -> memref<80x128xf32, #tpu.memory_space<vmem>>
      %dma_wait3A_163 = arith.constant 0 : i32
      %dma_wait3A_164 = tpu.memref_slice %arg5[%arg0, %mul3A_143, %dma_wait3A_163] : memref<2x10000x128xf32, #tpu.memory_space<hbm>> -> memref<1x80x128xf32, #tpu.memory_space<hbm>>
      %dma_wait3A_165 = tpu.memref_squeeze %dma_wait3A_164 : memref<1x80x128xf32, #tpu.memory_space<hbm>> -> memref<80x128xf32, #tpu.memory_space<hbm>>
      %dma_wait3A_166 = arith.constant 0 : i32
      %dma_wait3A_167 = tpu.memref_slice %arg5[%arg0, %mul3A_143, %dma_wait3A_166] : memref<2x10000x128xf32, #tpu.memory_space<hbm>> -> memref<1x80x128xf32, #tpu.memory_space<hbm>>
      %dma_wait3A_168 = tpu.memref_squeeze %dma_wait3A_167 : memref<1x80x128xf32, #tpu.memory_space<hbm>> -> memref<80x128xf32, #tpu.memory_space<hbm>>
      %dma_wait3A_169 = arith.constant 0 : i32
      %dma_wait3A_170 = arith.constant 0 : i32
      %dma_wait3A_171 = tpu.memref_slice %arg8[%dma_wait3A_169, %dma_wait3A_170] : memref<125x128xf32, #tpu.memory_space<vmem>> -> memref<80x128xf32, #tpu.memory_space<vmem>>
      tpu.wait_dma2 semaphore(%arg11 : memref<!tpu.dma_semaphore, #tpu.memory_space<semaphore_mem>>) src(%dma_wait3A_171 : memref<80x128xf32, #tpu.memory_space<vmem>>) dst(%dma_wait3A_168 : memref<80x128xf32, #tpu.memory_space<hbm>>)
    }
    %while3A_138 = arith.constant 1 : i32
    scf.for %while3A_139 = %while3A_136 to %while3A_132 step %while3A_138  : i32 {
      %mul3A_140 = arith.muli %while3A_139, %while3A_129 : i32
      %add3A_141 = arith.addi %arg1, %mul3A_140 : i32
      %mul3A_142 = arith.constant 80 : i32
      %mul3A_143 = arith.muli %add3A_141, %mul3A_142 : i32
      "tpu.region"() ({
        %run_scoped3A_172 = tpu.sem_alloc : memref<!tpu.dma_semaphore, #tpu.memory_space<semaphore_mem>>
        %dma_start3A_173 = arith.constant 0 : i32
        %dma_start3A_174 = arith.constant 0 : i32
        %dma_start3A_175 = tpu.memref_slice %arg8[%dma_start3A_173, %dma_start3A_174] : memref<125x128xf32, #tpu.memory_space<vmem>> -> memref<80x128xf32, #tpu.memory_space<vmem>>
        %dma_start3A_176 = arith.constant 0 : i32
        %dma_start3A_177 = tpu.memref_slice %arg10[%mul3A_143, %dma_start3A_176] : memref<10000x128xf32, #tpu.memory_space<vmem_shared>> -> memref<80x128xf32, #tpu.memory_space<vmem_shared>>
        %dma_start3A_178 = arith.constant 0 : i32
        %dma_start3A_179 = arith.constant 0 : i32
        %dma_start3A_180 = tpu.memref_slice %arg8[%dma_start3A_178, %dma_start3A_179] : memref<125x128xf32, #tpu.memory_space<vmem>> -> memref<80x128xf32, #tpu.memory_space<vmem>>
        %dma_start3A_181 = arith.constant 0 : i32
        %dma_start3A_182 = tpu.memref_slice %arg10[%mul3A_143, %dma_start3A_181] : memref<10000x128xf32, #tpu.memory_space<vmem_shared>> -> memref<80x128xf32, #tpu.memory_space<vmem_shared>>
        tpu.enqueue_dma source(%dma_start3A_182 : memref<80x128xf32, #tpu.memory_space<vmem_shared>>) target(%dma_start3A_180 : memref<80x128xf32, #tpu.memory_space<vmem>>) target_semaphore(%run_scoped3A_172 : memref<!tpu.dma_semaphore, #tpu.memory_space<semaphore_mem>>)
        %dma_wait3A_183 = arith.constant 0 : i32
        %dma_wait3A_184 = arith.constant 0 : i32
        %dma_wait3A_185 = tpu.memref_slice %arg8[%dma_wait3A_183, %dma_wait3A_184] : memref<125x128xf32, #tpu.memory_space<vmem>> -> memref<80x128xf32, #tpu.memory_space<vmem>>
        %dma_wait3A_186 = arith.constant 0 : i32
        %dma_wait3A_187 = tpu.memref_slice %arg10[%mul3A_143, %dma_wait3A_186] : memref<10000x128xf32, #tpu.memory_space<vmem_shared>> -> memref<80x128xf32, #tpu.memory_space<vmem_shared>>
        %dma_wait3A_188 = arith.constant 0 : i32
        %dma_wait3A_189 = arith.constant 0 : i32
        %dma_wait3A_190 = tpu.memref_slice %arg8[%dma_wait3A_188, %dma_wait3A_189] : memref<125x128xf32, #tpu.memory_space<vmem>> -> memref<80x128xf32, #tpu.memory_space<vmem>>
        %dma_wait3A_191 = arith.constant 0 : i32
        %dma_wait3A_192 = tpu.memref_slice %arg10[%mul3A_143, %dma_wait3A_191] : memref<10000x128xf32, #tpu.memory_space<vmem_shared>> -> memref<80x128xf32, #tpu.memory_space<vmem_shared>>
        tpu.wait_dma2 semaphore(%run_scoped3A_172 : memref<!tpu.dma_semaphore, #tpu.memory_space<semaphore_mem>>) src(%dma_wait3A_192 : memref<80x128xf32, #tpu.memory_space<vmem_shared>>) dst(%dma_wait3A_190 : memref<80x128xf32, #tpu.memory_space<vmem>>)
        tpu.yield
      }) : () -> ()
      %dma_start3A_144 = arith.constant 0 : i32
      %dma_start3A_145 = arith.constant 0 : i32
      %dma_start3A_146 = tpu.memref_slice %arg8[%dma_start3A_144, %dma_start3A_145] : memref<125x128xf32, #tpu.memory_space<vmem>> -> memref<80x128xf32, #tpu.memory_space<vmem>>
      %dma_start3A_147 = arith.constant 0 : i32
      %dma_start3A_148 = tpu.memref_slice %arg5[%arg0, %mul3A_143, %dma_start3A_147] : memref<2x10000x128xf32, #tpu.memory_space<hbm>> -> memref<1x80x128xf32, #tpu.memory_space<hbm>>
      %dma_start3A_149 = tpu.memref_squeeze %dma_start3A_148 : memref<1x80x128xf32, #tpu.memory_space<hbm>> -> memref<80x128xf32, #tpu.memory_space<hbm>>
      %dma_start3A_150 = arith.constant 0 : i32
      %dma_start3A_151 = tpu.memref_slice %arg5[%arg0, %mul3A_143, %dma_start3A_150] : memref<2x10000x128xf32, #tpu.memory_space<hbm>> -> memref<1x80x128xf32, #tpu.memory_space<hbm>>
      %dma_start3A_152 = tpu.memref_squeeze %dma_start3A_151 : memref<1x80x128xf32, #tpu.memory_space<hbm>> -> memref<80x128xf32, #tpu.memory_space<hbm>>
      %dma_start3A_153 = arith.constant 0 : i32
      %dma_start3A_154 = arith.constant 0 : i32
      %dma_start3A_155 = tpu.memref_slice %arg8[%dma_start3A_153, %dma_start3A_154] : memref<125x128xf32, #tpu.memory_space<vmem>> -> memref<80x128xf32, #tpu.memory_space<vmem>>
      tpu.enqueue_dma source(%dma_start3A_155 : memref<80x128xf32, #tpu.memory_space<vmem>>) target(%dma_start3A_152 : memref<80x128xf32, #tpu.memory_space<hbm>>) target_semaphore(%arg11 : memref<!tpu.dma_semaphore, #tpu.memory_space<semaphore_mem>>)
      %add3A_156 = arith.constant 16 : i32
      %add3A_157 = arith.addi %add3A_141, %add3A_156 : i32
      %lt3A = arith.constant 125 : i32
      %lt3A_158 = arith.cmpi slt, %add3A_157, %lt3A : i32
      %convert_element_type3A = arith.extui %lt3A_158 : i1 to i32
      %cond3A = arith.constant 0 : i32
      %cond3A_159 = arith.cmpi ne, %convert_element_type3A, %cond3A : i32
      scf.if %cond3A_159 {
        %add3A_172 = arith.constant 16 : i32
        %add3A_173 = arith.addi %add3A_141, %add3A_172 : i32
        %mul3A_174 = arith.constant 80 : i32
        %mul3A_175 = arith.muli %add3A_173, %mul3A_174 : i32
        "tpu.region"() ({
          %run_scoped3A_200 = tpu.sem_alloc : memref<!tpu.dma_semaphore, #tpu.memory_space<semaphore_mem>>
          %dma_start3A_201 = arith.constant 0 : i32
          %dma_start3A_202 = arith.constant 0 : i32
          %dma_start3A_203 = tpu.memref_slice %arg9[%dma_start3A_201, %dma_start3A_202] : memref<125x128xf32, #tpu.memory_space<vmem>> -> memref<80x128xf32, #tpu.memory_space<vmem>>
          %dma_start3A_204 = arith.constant 0 : i32
          %dma_start3A_205 = tpu.memref_slice %arg10[%mul3A_175, %dma_start3A_204] : memref<10000x128xf32, #tpu.memory_space<vmem_shared>> -> memref<80x128xf32, #tpu.memory_space<vmem_shared>>
          %dma_start3A_206 = arith.constant 0 : i32
          %dma_start3A_207 = arith.constant 0 : i32
          %dma_start3A_208 = tpu.memref_slice %arg9[%dma_start3A_206, %dma_start3A_207] : memref<125x128xf32, #tpu.memory_space<vmem>> -> memref<80x128xf32, #tpu.memory_space<vmem>>
          %dma_start3A_209 = arith.constant 0 : i32
          %dma_start3A_210 = tpu.memref_slice %arg10[%mul3A_175, %dma_start3A_209] : memref<10000x128xf32, #tpu.memory_space<vmem_shared>> -> memref<80x128xf32, #tpu.memory_space<vmem_shared>>
          tpu.enqueue_dma source(%dma_start3A_210 : memref<80x128xf32, #tpu.memory_space<vmem_shared>>) target(%dma_start3A_208 : memref<80x128xf32, #tpu.memory_space<vmem>>) target_semaphore(%run_scoped3A_200 : memref<!tpu.dma_semaphore, #tpu.memory_space<semaphore_mem>>)
          %dma_wait3A_211 = arith.constant 0 : i32
          %dma_wait3A_212 = arith.constant 0 : i32
          %dma_wait3A_213 = tpu.memref_slice %arg9[%dma_wait3A_211, %dma_wait3A_212] : memref<125x128xf32, #tpu.memory_space<vmem>> -> memref<80x128xf32, #tpu.memory_space<vmem>>
          %dma_wait3A_214 = arith.constant 0 : i32
          %dma_wait3A_215 = tpu.memref_slice %arg10[%mul3A_175, %dma_wait3A_214] : memref<10000x128xf32, #tpu.memory_space<vmem_shared>> -> memref<80x128xf32, #tpu.memory_space<vmem_shared>>
          %dma_wait3A_216 = arith.constant 0 : i32
          %dma_wait3A_217 = arith.constant 0 : i32
          %dma_wait3A_218 = tpu.memref_slice %arg9[%dma_wait3A_216, %dma_wait3A_217] : memref<125x128xf32, #tpu.memory_space<vmem>> -> memref<80x128xf32, #tpu.memory_space<vmem>>
          %dma_wait3A_219 = arith.constant 0 : i32
          %dma_wait3A_220 = tpu.memref_slice %arg10[%mul3A_175, %dma_wait3A_219] : memref<10000x128xf32, #tpu.memory_space<vmem_shared>> -> memref<80x128xf32, #tpu.memory_space<vmem_shared>>
          tpu.wait_dma2 semaphore(%run_scoped3A_200 : memref<!tpu.dma_semaphore, #tpu.memory_space<semaphore_mem>>) src(%dma_wait3A_220 : memref<80x128xf32, #tpu.memory_space<vmem_shared>>) dst(%dma_wait3A_218 : memref<80x128xf32, #tpu.memory_space<vmem>>)
          tpu.yield
        }) : () -> ()
        %dma_start3A_176 = arith.constant 0 : i32
        %dma_start3A_177 = arith.constant 0 : i32
        %dma_start3A_178 = tpu.memref_slice %arg9[%dma_start3A_176, %dma_start3A_177] : memref<125x128xf32, #tpu.memory_space<vmem>> -> memref<80x128xf32, #tpu.memory_space<vmem>>
        %dma_start3A_179 = arith.constant 0 : i32
        %dma_start3A_180 = tpu.memref_slice %arg5[%arg0, %mul3A_175, %dma_start3A_179] : memref<2x10000x128xf32, #tpu.memory_space<hbm>> -> memref<1x80x128xf32, #tpu.memory_space<hbm>>
        %dma_start3A_181 = tpu.memref_squeeze %dma_start3A_180 : memref<1x80x128xf32, #tpu.memory_space<hbm>> -> memref<80x128xf32, #tpu.memory_space<hbm>>
        %dma_start3A_182 = arith.constant 0 : i32
        %dma_start3A_183 = tpu.memref_slice %arg5[%arg0, %mul3A_175, %dma_start3A_182] : memref<2x10000x128xf32, #tpu.memory_space<hbm>> -> memref<1x80x128xf32, #tpu.memory_space<hbm>>
        %dma_start3A_184 = tpu.memref_squeeze %dma_start3A_183 : memref<1x80x128xf32, #tpu.memory_space<hbm>> -> memref<80x128xf32, #tpu.memory_space<hbm>>
        %dma_start3A_185 = arith.constant 0 : i32
        %dma_start3A_186 = arith.constant 0 : i32
        %dma_start3A_187 = tpu.memref_slice %arg9[%dma_start3A_185, %dma_start3A_186] : memref<125x128xf32, #tpu.memory_space<vmem>> -> memref<80x128xf32, #tpu.memory_space<vmem>>
        tpu.enqueue_dma source(%dma_start3A_187 : memref<80x128xf32, #tpu.memory_space<vmem>>) target(%dma_start3A_184 : memref<80x128xf32, #tpu.memory_space<hbm>>) target_semaphore(%arg12 : memref<!tpu.dma_semaphore, #tpu.memory_space<semaphore_mem>>)
        %dma_wait3A_188 = arith.constant 0 : i32
        %dma_wait3A_189 = arith.constant 0 : i32
        %dma_wait3A_190 = tpu.memref_slice %arg9[%dma_wait3A_188, %dma_wait3A_189] : memref<125x128xf32, #tpu.memory_space<vmem>> -> memref<80x128xf32, #tpu.memory_space<vmem>>
        %dma_wait3A_191 = arith.constant 0 : i32
        %dma_wait3A_192 = tpu.memref_slice %arg5[%arg0, %mul3A_175, %dma_wait3A_191] : memref<2x10000x128xf32, #tpu.memory_space<hbm>> -> memref<1x80x128xf32, #tpu.memory_space<hbm>>
        %dma_wait3A_193 = tpu.memref_squeeze %dma_wait3A_192 : memref<1x80x128xf32, #tpu.memory_space<hbm>> -> memref<80x128xf32, #tpu.memory_space<hbm>>
        %dma_wait3A_194 = arith.constant 0 : i32
        %dma_wait3A_195 = tpu.memref_slice %arg5[%arg0, %mul3A_175, %dma_wait3A_194] : memref<2x10000x128xf32, #tpu.memory_space<hbm>> -> memref<1x80x128xf32, #tpu.memory_space<hbm>>
        %dma_wait3A_196 = tpu.memref_squeeze %dma_wait3A_195 : memref<1x80x128xf32, #tpu.memory_space<hbm>> -> memref<80x128xf32, #tpu.memory_space<hbm>>
        %dma_wait3A_197 = arith.constant 0 : i32
        %dma_wait3A_198 = arith.constant 0 : i32
        %dma_wait3A_199 = tpu.memref_slice %arg9[%dma_wait3A_197, %dma_wait3A_198] : memref<125x128xf32, #tpu.memory_space<vmem>> -> memref<80x128xf32, #tpu.memory_space<vmem>>
        tpu.wait_dma2 semaphore(%arg12 : memref<!tpu.dma_semaphore, #tpu.memory_space<semaphore_mem>>) src(%dma_wait3A_199 : memref<80x128xf32, #tpu.memory_space<vmem>>) dst(%dma_wait3A_196 : memref<80x128xf32, #tpu.memory_space<hbm>>)
      } else {
      }
      %dma_wait3A_160 = arith.constant 0 : i32
      %dma_wait3A_161 = arith.constant 0 : i32
      %dma_wait3A_162 = tpu.memref_slice %arg8[%dma_wait3A_160, %dma_wait3A_161] : memref<125x128xf32, #tpu.memory_space<vmem>> -> memref<80x128xf32, #tpu.memory_space<vmem>>
      %dma_wait3A_163 = arith.constant 0 : i32
      %dma_wait3A_164 = tpu.memref_slice %arg5[%arg0, %mul3A_143, %dma_wait3A_163] : memref<2x10000x128xf32, #tpu.memory_space<hbm>> -> memref<1x80x128xf32, #tpu.memory_space<hbm>>
      %dma_wait3A_165 = tpu.memref_squeeze %dma_wait3A_164 : memref<1x80x128xf32, #tpu.memory_space<hbm>> -> memref<80x128xf32, #tpu.memory_space<hbm>>
      %dma_wait3A_166 = arith.constant 0 : i32
      %dma_wait3A_167 = tpu.memref_slice %arg5[%arg0, %mul3A_143, %dma_wait3A_166] : memref<2x10000x128xf32, #tpu.memory_space<hbm>> -> memref<1x80x128xf32, #tpu.memory_space<hbm>>
      %dma_wait3A_168 = tpu.memref_squeeze %dma_wait3A_167 : memref<1x80x128xf32, #tpu.memory_space<hbm>> -> memref<80x128xf32, #tpu.memory_space<hbm>>
      %dma_wait3A_169 = arith.constant 0 : i32
      %dma_wait3A_170 = arith.constant 0 : i32
      %dma_wait3A_171 = tpu.memref_slice %arg8[%dma_wait3A_169, %dma_wait3A_170] : memref<125x128xf32, #tpu.memory_space<vmem>> -> memref<80x128xf32, #tpu.memory_space<vmem>>
      tpu.wait_dma2 semaphore(%arg11 : memref<!tpu.dma_semaphore, #tpu.memory_space<semaphore_mem>>) src(%dma_wait3A_171 : memref<80x128xf32, #tpu.memory_space<vmem>>) dst(%dma_wait3A_168 : memref<80x128xf32, #tpu.memory_space<hbm>>)
    }
    return
  }
}

module attributes {stable_mosaic.version = 14 : i64} {
  func.func @_tc_body(%arg0: i32, %arg1: memref<2x5000x128xf32, #tpu.memory_space<vmem>>, %arg2: memref<2x5000x128xf32, #tpu.memory_space<vmem>>, %arg3: memref<5000x128xf32, #tpu.memory_space<vmem>>, %arg4: memref<128x128xf32, #tpu.memory_space<vmem>>, %arg5: memref<1x128xf32, #tpu.memory_space<vmem>>, %arg6: memref<128x128xf32, #tpu.memory_space<vmem>>, %arg7: memref<5000x128xf32, #tpu.memory_space<vmem>>) attributes {dimension_semantics = [#tpu.dimension_semantics<arbitrary>], iteration_bounds = array<i64: 2>, scalar_prefetch = 0 : i64, scratch_operands = 0 : i64, tpu.core_type = #tpu.core_type<tc>, window_params = [{transform_indices = @transform_0, window_bounds = array<i64: 2, 5000, 128>}, {transform_indices = @transform_1, window_bounds = array<i64: 2, 5000, 128>}, {transform_indices = @transform_2, window_bounds = array<i64: 5000, 128>}, {pipeline_mode = #tpu.pipeline_mode<synchronous>, transform_indices = @transform_3, window_bounds = array<i64: 128, 128>}, {pipeline_mode = #tpu.pipeline_mode<synchronous>, transform_indices = @transform_4, window_bounds = array<i64: 1, 128>}, {pipeline_mode = #tpu.pipeline_mode<synchronous>, transform_indices = @transform_5, window_bounds = array<i64: 128, 128>}, {transform_indices = @transform_6, window_bounds = array<i64: 5000, 128>}]} {
    %get3A = arith.constant 0 : index
    %get3A_0 = arith.constant 0 : index
    %get3A_1 = arith.constant 0 : index
    %get3A_2 = vector.load %arg1[%get3A, %get3A_0, %get3A_1] : memref<2x5000x128xf32, #tpu.memory_space<vmem>>, vector<1x5000x128xf32>
    %get3A_3 = vector.shape_cast %get3A_2 : vector<1x5000x128xf32> to vector<5000x128xf32>
    %get3A_4 = arith.constant 1 : index
    %get3A_5 = arith.constant 0 : index
    %get3A_6 = arith.constant 0 : index
    %get3A_7 = vector.load %arg1[%get3A_4, %get3A_5, %get3A_6] : memref<2x5000x128xf32, #tpu.memory_space<vmem>>, vector<1x5000x128xf32>
    %get3A_8 = vector.shape_cast %get3A_7 : vector<1x5000x128xf32> to vector<5000x128xf32>
    %add3A = arith.addf %get3A_3, %get3A_8 : vector<5000x128xf32>
    %get3A_9 = arith.constant 0 : index
    %get3A_10 = arith.constant 0 : index
    %get3A_11 = arith.constant 0 : index
    %get3A_12 = vector.load %arg2[%get3A_9, %get3A_10, %get3A_11] : memref<2x5000x128xf32, #tpu.memory_space<vmem>>, vector<1x5000x128xf32>
    %get3A_13 = vector.shape_cast %get3A_12 : vector<1x5000x128xf32> to vector<5000x128xf32>
    %slice3A = vector.extract_strided_slice %get3A_13 {offsets = [0, 0], sizes = [5000, 1], strides = [1, 1]} : vector<5000x128xf32> to vector<5000x1xf32>
    %get3A_14 = arith.constant 1 : index
    %get3A_15 = arith.constant 0 : index
    %get3A_16 = arith.constant 0 : index
    %get3A_17 = vector.load %arg2[%get3A_14, %get3A_15, %get3A_16] : memref<2x5000x128xf32, #tpu.memory_space<vmem>>, vector<1x5000x128xf32>
    %get3A_18 = vector.shape_cast %get3A_17 : vector<1x5000x128xf32> to vector<5000x128xf32>
    %slice3A_19 = vector.extract_strided_slice %get3A_18 {offsets = [0, 0], sizes = [5000, 1], strides = [1, 1]} : vector<5000x128xf32> to vector<5000x1xf32>
    %add3A_20 = arith.addf %slice3A, %slice3A_19 : vector<5000x1xf32>
    %slice3A_21 = vector.extract_strided_slice %add3A {offsets = [0, 0], sizes = [5000, 1], strides = [1, 1]} : vector<5000x128xf32> to vector<5000x1xf32>
    %sub3A = arith.subf %add3A_20, %slice3A_21 : vector<5000x1xf32>
    %max3A = arith.constant 1.000000e+00 : f32
    %max3A_22 = vector.broadcast %max3A : f32 to vector<5000x1xf32>
    %max3A_23 = arith.maximumf %sub3A, %max3A_22 : vector<5000x1xf32>
    %div3A = vector.broadcast %max3A_23 : vector<5000x1xf32> to vector<5000x128xf32>
    %div3A_24 = arith.divf %add3A, %div3A : vector<5000x128xf32>
    %get3A_25 = arith.constant 0 : index
    %get3A_26 = arith.constant 0 : index
    %get3A_27 = vector.load %arg4[%get3A_25, %get3A_26] : memref<128x128xf32, #tpu.memory_space<vmem>>, vector<128x128xf32>
    %dot_general3A = arith.constant dense<0.000000e+00> : vector<5000x128xf32>
    %dot_general3A_28 = tpu.matmul %div3A_24, %get3A_27, %dot_general3A {dimension_numbers = #tpu.dot_dimension_numbers<[1], [0], [0], [1], [0, 0, 1, 1], [], []>, transpose_lhs_hint = false} : vector<5000x128xf32>, vector<128x128xf32>, vector<5000x128xf32> -> vector<5000x128xf32>
    %get3A_29 = arith.constant 0 : index
    %get3A_30 = arith.constant 0 : index
    %get3A_31 = vector.load %arg5[%get3A_29, %get3A_30] : memref<1x128xf32, #tpu.memory_space<vmem>>, vector<1x128xf32>
    %add3A_32 = vector.broadcast %get3A_31 : vector<1x128xf32> to vector<5000x128xf32>
    %add3A_33 = arith.addf %dot_general3A_28, %add3A_32 : vector<5000x128xf32>
    %get3A_34 = arith.constant 0 : index
    %get3A_35 = arith.constant 0 : index
    %get3A_36 = vector.load %arg3[%get3A_34, %get3A_35] : memref<5000x128xf32, #tpu.memory_space<vmem>>, vector<5000x128xf32>
    %get3A_37 = arith.constant 0 : index
    %get3A_38 = arith.constant 0 : index
    %get3A_39 = vector.load %arg6[%get3A_37, %get3A_38] : memref<128x128xf32, #tpu.memory_space<vmem>>, vector<128x128xf32>
    %dot_general3A_40 = arith.constant dense<0.000000e+00> : vector<5000x128xf32>
    %dot_general3A_41 = tpu.matmul %get3A_36, %get3A_39, %dot_general3A_40 {dimension_numbers = #tpu.dot_dimension_numbers<[1], [0], [0], [1], [0, 0, 1, 1], [], []>, transpose_lhs_hint = false} : vector<5000x128xf32>, vector<128x128xf32>, vector<5000x128xf32> -> vector<5000x128xf32>
    %add3A_42 = arith.addf %add3A_33, %dot_general3A_41 : vector<5000x128xf32>
    %mul3A = arith.mulf %add3A_42, %add3A_42 : vector<5000x128xf32>
    %reduce_sum3A = arith.constant dense<0.000000e+00> : vector<5000xf32>
    %reduce_sum3A_43 = vector.multi_reduction <add>, %mul3A, %reduce_sum3A [1] : vector<5000x128xf32> to vector<5000xf32>
    %broadcast_in_dim3A = vector.shape_cast %reduce_sum3A_43 : vector<5000xf32> to vector<5000x1xf32>
    %sqrt3A = math.sqrt %broadcast_in_dim3A : vector<5000x1xf32>
    %max3A_44 = arith.constant 9.99999996E-13 : f32
    %max3A_45 = vector.broadcast %max3A_44 : f32 to vector<5000x1xf32>
    %max3A_46 = arith.maximumf %sqrt3A, %max3A_45 : vector<5000x1xf32>
    %div3A_47 = vector.broadcast %max3A_46 : vector<5000x1xf32> to vector<5000x128xf32>
    %div3A_48 = arith.divf %add3A_42, %div3A_47 : vector<5000x128xf32>
    %swap3A = arith.constant 0 : index
    %swap3A_49 = arith.constant 0 : index
    %swap3A_50 = vector.load %arg7[%swap3A, %swap3A_49] : memref<5000x128xf32, #tpu.memory_space<vmem>>, vector<5000x128xf32>
    tpu.vector_store %arg7[%swap3A, %swap3A_49], %div3A_48 {strides = array<i32>} : memref<5000x128xf32, #tpu.memory_space<vmem>>, vector<5000x128xf32>,
    return
  }
  func.func @transform_0(%arg0: i32) -> (i32, i32, i32) {
    %c0_i32 = arith.constant 0 : i32
    %c0_i32_0 = arith.constant 0 : i32
    %c0_i32_1 = arith.constant 0 : i32
    return %c0_i32, %arg0, %c0_i32_0 : i32, i32, i32
  }
  func.func @transform_1(%arg0: i32) -> (i32, i32, i32) {
    %c0_i32 = arith.constant 0 : i32
    %c0_i32_0 = arith.constant 0 : i32
    %c0_i32_1 = arith.constant 0 : i32
    return %c0_i32, %arg0, %c0_i32_0 : i32, i32, i32
  }
  func.func @transform_2(%arg0: i32) -> (i32, i32) {
    %c0_i32 = arith.constant 0 : i32
    %c0_i32_0 = arith.constant 0 : i32
    return %arg0, %c0_i32 : i32, i32
  }
  func.func @transform_3(%arg0: i32) -> (i32, i32) {
    %c0_i32 = arith.constant 0 : i32
    %c0_i32_0 = arith.constant 0 : i32
    %c0_i32_1 = arith.constant 0 : i32
    return %c0_i32, %c0_i32_0 : i32, i32
  }
  func.func @transform_4(%arg0: i32) -> (i32, i32) {
    %c0_i32 = arith.constant 0 : i32
    %c0_i32_0 = arith.constant 0 : i32
    %c0_i32_1 = arith.constant 0 : i32
    return %c0_i32, %c0_i32_0 : i32, i32
  }
  func.func @transform_5(%arg0: i32) -> (i32, i32) {
    %c0_i32 = arith.constant 0 : i32
    %c0_i32_0 = arith.constant 0 : i32
    %c0_i32_1 = arith.constant 0 : i32
    return %c0_i32, %c0_i32_0 : i32, i32
  }
  func.func @transform_6(%arg0: i32) -> (i32, i32) {
    %c0_i32 = arith.constant 0 : i32
    %c0_i32_0 = arith.constant 0 : i32
    return %arg0, %c0_i32 : i32, i32
  }
}

</mosaic_0001>

<sc_bundles>
// kernel: kernel.4.cloned.1.call-start
scs
__scs_entry_jumppad:
0x0: {  	(pc) =	sbr.rel $0x88, $3  }
0x1: {  	(tag) =	ssettag $0x0;
	lr =	simm.s32 $0x1  }
0x2: {  	[smem:$0x3F9C] =	sst lr;
	_ =	strace $0xD0000000  }
0x3: {  	_ = 	snop  }
0x4: {  	_ = 	snop  }
0x5: {  	_ = 	snop  }
0x6: {  	_ = 	snop  }
0x7: {  	_ = 	snop  }
__scs_overlays_trampoline_lowered:
0x8: {  	[smem:$0x3FAB] =	sst s0  }
0x9: {  	[smem:$0x3FAC] =	sst s1  }
0xa: {  	[smem:$0x3FAD] =	sst s2  }
0xb: {  	[smem:$0x3FAE] =	sst s3  }
0xc: {  	[smem:$0x3FAF] =	sst s4  }
0xd: {  	[smem:$0x3FB0] =	sst s5  }
0xe: {  	[smem:$0x3FB1] =	sst s6  }
0xf: {  	[smem:$0x3FB2] =	sst s7  }
0x10: {  	[smem:$0x3FB3] =	sst s8  }
0x11: {  	[smem:$0x3FB4] =	sst s9;
	s0 =	simm.s32 @!p0 $0x0  }
0x12: {  	s1 =	sld [smem:$0x3F9A];
	s0 =	simm.s32 @p0 $0x1  }
0x13: {  	[smem:$0x3FB5] =	sst s0;
	s0 =	simm.s32 @!p1 $0x0  }
0x14: {  	s2 =	sld [smem:$0x3F99];
	s0 =	simm.s32 @p1 $0x1  }
0x15: {  	[smem:$0x3FB6] =	sst s0;
	s0 =	simm.s32 @!p2 $0x0  }
0x16: {  	s3 =	sld [smem:$0x3FDB];
	s0 =	simm.s32 @p2 $0x1  }
0x17: {  	s4 =	simm.s32 $0x1BF5;
	[smem:$0x3FB8] =	sst s0  }
0x18: {  	s0 =	sld [smem:$0x3F9B];
	_ =	swait.ge [sflag:s4], $0x0  }
0x19: {  	s7 =	sld [smem:$0x3F9C]  }
0x1a: {  	s8 =	sadd.s32 $0xFFFFE003, lr  }
0x1b: {  	s9 =	sadd.s32 $0xFFFFFEF7, lr;
	s5 =	simm.s32 $0xFFFFFFFF;
	p2 =	slt.u32 s8, $0xFFFFF086  }
0x1c: {  	p1 =	slt.u32 s9, $0xF7A;
	s5 =	simm.s32 @!p2 $0x0  }
0x1d: {  	s5 =	simm.s32 @p1 $0x1;
	p0 =	seq.s32 s7, s2  }
0x1e: {  	s7 =	smul.u32 @!p0 $0xF7A, s2;
	p2 =	seq.s32 @!p0 s5, $0x0  }
0x1f: {  	s9 =	smul.u32 $0xF7A, s1;
	s8 =	simm.s32 @!p0 $0x1BF5;
	p2 =	por !p2, p0  }
0x20: {  	[sflag:s8] =	ssyncset.s32 @!p0 $0xFFFFF086;
	s6 =	sadd.s32 @!p0 s3, s7;
	s7 =	simm.s32 @!p0 $0x108  }
0x21: {  	s3 =	sadd.s32 s3, s9;
	s6 =	sadd.s32 @!p0 $0x88, s6;
	s7 =	simm.s32 @p2 $0x1082  }
0x22: {  	[simem:s7], [sflag:s8] =	dma.local @!p0 [hbm:s6], $0xF7A  }
0x23: {  	s9 =	sor.u32 $0xD0000000, s2;
	s6 =	simm.s32 $0x108;
	_ =	swait.ge @!p0 [sflag:s8], $0x0  }
0x24: {  	s3 =	sadd.s32 $0x88, s3;
	s6 =	simm.s32 @!p1 $0x1082;
	[sflag:s4] =	ssyncset.s32 $0xFFFFF086  }
0x25: {  	[simem:s6], [sflag:s4] =	dma.local [hbm:s3], $0xF7A  }
0x26: {  	[smem:$0x3F9C] =	sst s1;
	(tag) =	ssettag s2;
	_ =	strace s9  }
0x27: {  	s1 =	sld [smem:$0x3FAC]  }
0x28: {  	s2 =	sld [smem:$0x3FAD]  }
0x29: {  	s4 =	sld [smem:$0x3FAF]  }
0x2a: {  	p0 =	seq.s32 s5, $0x0;
	s5 =	sld [smem:$0x3FB0]  }
0x2b: {  	s6 =	sld [smem:$0x3FB1]  }
0x2c: {  	s7 =	sld [smem:$0x3FB2]  }
0x2d: {  	s3 =	simm.s32 $0x108;
	s8 =	sld [smem:$0x3FB3]  }
0x2e: {  	s3 =	simm.s32 @!p0 $0x1082;
	s9 =	sld [smem:$0x3FB4]  }
0x2f: {  	lr =	sadd.s32 s0, s3;
	s0 =	sld [smem:$0x3FAB]  }
0x30: {  	s3 =	sld [smem:$0x3FAE]  }
0x31: {  	[smem:$0x3FB7] =	sst s10  }
0x32: {  	s10 =	sld [smem:$0x3FB5];
	_ =	sdelay $0x3  }
0x33: {  	p0 =	seq.s32 s10, $0x1;
	s10 =	sld [smem:$0x3FB7];
	_ =	sdelay $0x3  }
0x34: {  	[smem:$0x3FB7] =	sst s10  }
0x35: {  	s10 =	sld [smem:$0x3FB6];
	_ =	sdelay $0x3  }
0x36: {  	p1 =	seq.s32 s10, $0x1;
	s10 =	sld [smem:$0x3FB7];
	_ =	sdelay $0x3  }
0x37: {  	[smem:$0x3FB7] =	sst s10  }
0x38: {  	s10 =	sld [smem:$0x3FB8]  }
0x39: {  	_ = 	snop;
	(pc) =	sbr.ind lr, $3  }
0x3a: {  	_ = 	snop  }
0x3b: {  	_ = 	snop  }
0x3c: {  	p2 =	seq.s32 s10, $0x1;
	s10 =	sld [smem:$0x3FB7]  }
0x3d: {  	_ =	shalt  }
0x3e: {  	_ =	shalt  }
0x3f: {  	_ =	shalt  }
0x40: {  	_ =	shalt  }
0x41: {  	_ =	shalt  }
0x42: {  	_ =	shalt  }
0x43: {  	_ =	shalt  }
0x44: {  	_ =	shalt  }
0x45: {  	_ =	shalt  }
0x46: {  	_ =	shalt  }
0x47: {  	_ =	shalt  }
0x48: {  	_ =	shalt  }
0x49: {  	_ =	shalt  }
0x4a: {  	_ =	shalt  }
0x4b: {  	_ =	shalt  }
0x4c: {  	_ =	shalt  }
0x4d: {  	_ =	shalt  }
0x4e: {  	_ =	shalt  }
0x4f: {  	_ =	shalt  }
0x50: {  	_ =	shalt  }
0x51: {  	_ =	shalt  }
0x52: {  	_ =	shalt  }
0x53: {  	_ =	shalt  }
0x54: {  	_ =	shalt  }
0x55: {  	_ =	shalt  }
0x56: {  	_ =	shalt  }
0x57: {  	_ =	shalt  }
0x58: {  	_ =	shalt  }
0x59: {  	_ =	shalt  }
0x5a: {  	_ =	shalt  }
0x5b: {  	_ =	shalt  }
0x5c: {  	_ =	shalt  }
0x5d: {  	_ =	shalt  }
0x5e: {  	_ =	shalt  }
0x5f: {  	_ =	shalt  }
0x60: {  	_ =	shalt  }
0x61: {  	_ =	shalt  }
0x62: {  	_ =	shalt  }
0x63: {  	_ =	shalt  }
0x64: {  	_ =	shalt  }
0x65: {  	_ =	shalt  }
0x66: {  	_ =	shalt  }
0x67: {  	_ =	shalt  }
0x68: {  	_ =	shalt  }
0x69: {  	_ =	shalt  }
0x6a: {  	_ =	shalt  }
0x6b: {  	_ =	shalt  }
0x6c: {  	_ =	shalt  }
0x6d: {  	_ =	shalt  }
0x6e: {  	_ =	shalt  }
0x6f: {  	_ =	shalt  }
0x70: {  	_ =	shalt  }
0x71: {  	_ =	shalt  }
0x72: {  	_ =	shalt  }
0x73: {  	_ =	shalt  }
0x74: {  	_ =	shalt  }
0x75: {  	_ =	shalt  }
0x76: {  	_ =	shalt  }
0x77: {  	_ =	shalt  }
0x78: {  	_ =	shalt  }
0x79: {  	_ =	shalt  }
0x7a: {  	_ =	shalt  }
0x7b: {  	_ =	shalt  }
0x7c: {  	_ =	shalt  }
0x7d: {  	_ =	shalt  }
0x7e: {  	_ =	shalt  }
0x7f: {  	_ =	shalt  }
0x80: {  	_ =	shalt  }
0x81: {  	_ =	shalt  }
0x82: {  	_ =	shalt  }
0x83: {  	_ =	shalt  }
0x84: {  	_ =	shalt  }
0x85: {  	_ =	shalt  }
0x86: {  	_ =	shalt  }
0x87: {  	_ =	shalt  }
.Lfunc_end0:
.L_simem_size_0:
called_computation_lowered:
.L_overlay_start_0:
0x88: {  	s2 =	sld [smem:$0x3FD9]  }
0x89: {  	s3 =	sld [smem:$0x3FFE];
	_ =	sdelay $0x1  }
0x8a: {  	s1 =	srdreg.scid  }
0x8b: {  	s0 =	sand.u32 $0x1, s1  }
0x8c: {  	s17 =	sshll.u32 s0, $0xA;
	s2 =	sadd.s32 s3, s2  }
0x8d: {  	s2 =	sadd.s32 s2, s17  }
0x8e: {  	[smem:$0x3FC3] =	sst s2  }
0x8f: {  	_ = 	snop  }
0x90: {  	s2 =	sld [smem:$0x3FC9]  }
0x91: {  	s18 =	sld [smem:$0x3FD0];
	(tm) =	ssettm $0x1  }
0x92: {  	s4 =	sld [smem:$0x3FFB];
	_ =	sdelay $0x3  }
0x93: {  	_ =	strace s4  }
0x94: {  	s4 =	sld [smem:$0x3FFC];
	_ =	sdelay $0x3  }
0x95: {  	_ =	strace s4  }
0x96: {  	s4 =	sld [smem:$0x3FFD];
	_ =	sdelay $0x3  }
0x97: {  	_ =	strace s4  }
0x98: {  	_ =	strace $0x8FFFFFFF  }
0x99: {  	s19 =	sld [smem:$0x3FDB];
	_ =	sdelay $0x1  }
0x9a: {  	s5 =	simm.s32 $_scs_section_size  }
0x9b: {  	s6 =	simm.s32 $_size__tile_overlayer_lowered;
	s7 =	simm.s32 $_tile_overlayer_lowered  }
0x9c: {  	s22 =	simm.s32 $0x1BFF;
	s21 =	sshll.u32 s7, $0x1;
	s4 =	sadd.s32 s5, s19  }
0x9d: {  	s8 =	simm.s32 $0x0;
	s20 =	sshll.u32 s6, $0x1;
	s6 =	sadd.s32 s21, s4  }
0x9e: {  	[timem:s8], [sflag:s22] =	dma.local [hbm:s6], s20  }
0x9f: {  	_ =	swait.ge [sflag:s22], s20  }
0xa0: {  	s5 =	ssub.s32 $0x0, s20;
	[sflag:s22] =	ssyncset.done $0x0  }
0xa1: {  	[sflag:s22] =	ssyncadd.s32 s5;
	_ =	sdelay $0x1  }
0xa2: {  	s23 =	simm.s32 $0x1B8B  }
0xa3: {  	_ =	swait.ge [sflag:s23], $0x1  }
0xa4: {  	[sflag:s23] =	ssyncset.done $0x0  }
0xa5: {  	s25 =	simm.s32 $0x1B8E;
	s24 =	sld [smem:$0x3FFE];
	[sflag:s23] =	ssyncadd.s32 $0xFFFFFFFF  }
0xa6: {  	s26 =	simm.s32 $execute0_lowered;
	[smem:$0x3FD2] =	sst s25  }
0xa7: {  	s6 =	sshll.u32 s26, $0x1;
	_ =	strace $0x80000046;
	[dreg:$0x1] =	wrdreg $0xFFFFFFFF  }
0xa8: {  	s28 =	simm.s32 $_size_execute0_lowered;
	s4 =	sadd.s32 s4, s6;
	[dreg:$0x0] =	wrdreg $0x0  }
0xa9: {  	s6 =	sshll.u32 s28, $0x1;
	[dreg:$0x2] =	wrdreg s4  }
0xaa: {  	[dreg:$0x3] =	wrdreg s6  }
0xab: {  	[dreg:$0x4] =	wrdreg $0xC0  }
0xac: {  	_ =	task [dreg:s8], $0x5FFFF  }
0xad: {  	[dreg:$0x1] =	wrdreg $0xFFFFFFFF  }
0xae: {  	[dreg:$0x0] =	wrdreg $0x60  }
0xaf: {  	[dreg:$0x2] =	wrdreg s2  }
0xb0: {  	[dreg:$0x3] =	wrdreg s18  }
0xb1: {  	[dreg:$0x4] =	wrdreg s24  }
0xb2: {  	[dreg:$0x5] =	wrdreg $0xBC000  }
0xb3: {  	[dreg:$0x6] =	wrdreg $0x9  }
0xb4: {  	_ =	task.clear_ibuf [dreg:s8], $0x7FFFF;
	_ =	strace $0x90000046  }
0xb5: {  	s29 =	simm.s32 $0x9;
	_ =	strace $0x80000048  }
0xb6: {  	_ =	swait.ge [sflag:s29], $0x1  }
0xb7: {  	[sflag:s29] =	ssyncadd.s32 $0xFFFFFFFF  }
0xb8: {  	_ =	strace $0x90000048  }
0xb9: {  	_ =	sfence  }
0xba: {  	s30 =	sld [smem:$0x0];
	_ =	sdelay $0x2  }
0xbb: {  	s31 =	sshll.u32 s1, $0xD;
	s1 =	sshrl.u32 s1, $0x2  }
0xbc: {  	s3 =	sand.u32 $0x4000, s31;
	s1 =	sadd.s32 s1, s30  }
0xbd: {  	s0 =	sor.u32 s3, s0;
	s1 =	sshll.u32 s1, $0x11  }
0xbe: {  	s0 =	sor.u32 s1, s0  }
0xbf: {  	s0 =	sadd.s32 $0x8F2B, s0  }
0xc0: {  	[sflag:s0] =	ssyncadd.remote.s32 $0x1  }
0xc1: {  	_ =	sfence.sel $0xFFFF  }
0xc2: {  	[dreg:$0x0] =	wrdreg $0xFFFFFFFF;
	(pc) =	sbr.abs _section_cstart, $3  }
0xc3: {  	[dreg:$0x1] =	wrdreg $0xFFFFFFFF  }
0xc4: {  	_ =	task.clear_ibuf [dreg:s8], $0x2FFFF;
	_ =	strace $0x9FFFFFFF  }
0xc5: {  	(tm) =	ssettm $0x7FFFFFFF  }
tec
execute0_lowered:
.L_overlay_start_1:
0x0: {  	(tag) =	ssettag $0x1  }
0x1: {  	s2 =	rddreg [dreg:$0x1]  }
0x2: {  	s0 =	srdreg.scid;
	s4 =	rddreg [dreg:$0x2];
	s1 =	simm.s32 $0x0  }
0x3: {  	s22 =	stileid.u32;
	s0 =	sand.u32 $0x1, s0;
	[smem:$0x7FF] =	sst s1  }
0x4: {  	s5 =	sadd.s32 $0x1800, s4;
	s4 =	sadd.s32 $0x4FA00, s4;
	s7 =	smul.u32 $0x2800, s22  }
0x5: {  	s8 =	sor.u32 $0x10, s22;
	s12 =	sor.u32 $0x40, s22;
	s6 =	smul.u32 $0x138800, s0  }
0x6: {  	s26 =	sor.u32 $0x60, s22;
	s28 =	sor.u32 $0x70, s22;
	s10 =	smul.u32 $0x2800, s8  }
0x7: {  	s3 =	sshll.u32 s0, $0x4;
	s0 =	ssub.s32 $0x2, s0;
	s8 =	smul.u32 $0xA000, s8  }
0x8: {  	s13 =	smul.u32 $0x2800, s12;
	s3 =	sor.u32 s22, s3;
	s9 =	sshrl.u32 s0, $0x1  }
0x9: {  	p0 =	sgt.u32 s28, $0x7C;
	s3 =	smul.u32 $0x2800, s3;
	s0 =	ssub.s32 s0, s9  }
0xa: {  	s14 =	sadd.s32 s6, s7;
	s15 =	sadd.s32 s6, s10;
	s7 =	sor.u32 $0x20, s22  }
0xb: {  	s10 =	sor.u32 $0x30, s22;
	s17 =	smul.u32 $0x2800, s7;
	s3 =	sshrl.u32 s3, $0x3  }
0xc: {  	s13 =	sadd.s32 s6, s13;
	s11 =	smul.u32 $0x2800, s10;
	s2 =	sadd.s32 s2, s3  }
0xd: {  	s3 =	sshrl.u32 s15, $0x3;
	s9 =	sadd.s32 s6, s17;
	s15 =	smul.u32 $0x2800, s26  }
0xe: {  	s11 =	sadd.s32 s6, s11;
	s17 =	smul.u32 $0x2800, s28;
	[dreg:$0x11] =	wrdreg s2  }
0xf: {  	s2 =	sshrl.u32 s14, $0x3;
	s18 =	sadd.s32 s5, s3;
	s9 =	sshrl.u32 s9, $0x3  }
0x10: {  	s11 =	sshrl.u32 s11, $0x3;
	s25 =	sadd.s32 s4, s3;
	[dreg:$0x6] =	wrdreg s18  }
0x11: {  	s16 =	sadd.s32 s5, s2;
	s14 =	sadd.s32 s5, s9;
	[dreg:$0xe] =	wrdreg s25  }
0x12: {  	s18 =	sadd.s32 s5, s11;
	s21 =	sadd.s32 s6, s15;
	[dreg:$0x5] =	wrdreg s16  }
0x13: {  	s2 =	sadd.s32 s4, s2;
	s3 =	sadd.s32 s4, s9;
	[dreg:$0x7] =	wrdreg s14  }
0x14: {  	s9 =	smul.u32 $0xA000, s7;
	s16 =	sor.u32 $0x50, s22;
	[dreg:$0x8] =	wrdreg s18  }
0x15: {  	s18 =	sshrl.u32 s13, $0x3;
	[dreg:$0xd] =	wrdreg s2;
	s14 =	smul.u32 $0xA000, s10  }
0x16: {  	[dreg:$0xf] =	wrdreg s3;
	s19 =	smul.u32 $0x2800, s16;
	s23 =	sadd.s32 s5, s18  }
0x17: {  	s15 =	sadd.s32 s4, s18;
	s7 =	smul.u32 $0xA000, s16;
	s2 =	sshrl.u32 s9, $0x2  }
0x18: {  	s9 =	smul.u32 $0xA000, s28;
	[dreg:$0x9] =	wrdreg s23;
	s23 =	smax.u32 s0, $0x1  }
0x19: {  	s0 =	sshrl.u32 s14, $0x2;
	s20 =	sadd.s32 s6, s19;
	s6 =	sadd.s32 s6, s17  }
0x1a: {  	s17 =	rddreg [dreg:$0x0];
	s10 =	sshrl.u32 s7, $0x2;
	s7 =	simm.s32 $0x3C00  }
0x1b: {  	s19 =	sshrl.u32 s20, $0x3;
	s20 =	sshrl.u32 s21, $0x3;
	s6 =	sshrl.u32 s6, $0x3  }
0x1c: {  	s13 =	sadd.s32 s5, s19;
	s24 =	sadd.s32 s5, s20;
	s5 =	sadd.s32 s5, s6  }
0x1d: {  	s18 =	sadd.s32 s4, s19;
	s19 =	sadd.s32 s4, s20;
	s20 =	rddreg [dreg:$0x3]  }
0x1e: {  	s21 =	sadd.s32 s4, s6;
	s6 =	smul.u32 $0xA000, s12;
	[dreg:$0xa] =	wrdreg s13  }
0x1f: {  	s12 =	sshrl.u32 s9, $0x2;
	s9 =	simm.s32 $0x2;
	[dreg:$0xb] =	wrdreg s24  }
0x20: {  	[dreg:$0xc] =	wrdreg s5;
	s5 =	sadd.s32 s4, s11;
	s11 =	ssub.s32 $0x8C, s22  }
0x21: {  	s13 =	smul.u32 $0xA000, s22;
	s28 =	sadd.s32 s0, s20;
	s30 =	sadd.s32 s10, s20  }
0x22: {  	s16 =	sadd.s32 s12, s20;
	s10 =	simm.s32 $0x0;
	[dreg:$0x10] =	wrdreg s5  }
0x23: {  	s22 =	sshrl.u32 s11, $0x4;
	s5 =	sshrl.u32 s8, $0x2;
	s8 =	smul.u32 $0xA000, s26  }
0x24: {  	s26 =	sadd.s32 s2, s20;
	s2 =	simm.s32 $0x80;
	_ =	strace $0x80000047  }
0x25: {  	s4 =	sshrl.u32 s13, $0x2;
	s25 =	sadd.s32 s5, s20;
	s5 =	sshrl.u32 s6, $0x2  }
0x26: {  	s6 =	simm.s32 $0x7D;
	s24 =	sadd.s32 s4, s20;
	s29 =	sadd.s32 s5, s20  }
0x27: {  	s11 =	sshrl.u32 s8, $0x2;
	s13 =	rddreg [dreg:$0x11];
	s4 =	simm.s32 $0x7C00  }
0x28: {  	s5 =	simm.s32 $0x3;
	s8 =	simm.s32 $0x1;
	s31 =	sadd.s32 s11, s20  }
0x29: {  	v0 =	vimm.f32 $0.0e+00;
	v1 =	vimm.f32 $1.000000000e+00;
	s0 =	sadd.s32 $0xA000, s13;
	s14 =	smov.u32 s13;
	s3 =	sadd.s32 $0x280, s13  }
.LBB2_1:
0x2a: {  	s11 =	simm.s32 $0x0;
	s12 =	simm.s32 $0x200  }
.LBB2_2:
0x2b: {  	p1 =	sne.s32 s12, $0xF800;
	[tilespmem:s11+$0x7C70] =	vst v0  }
0x2c: {  	[tilespmem:s11+$0x7C00] =	vst v0  }
0x2d: {  	[tilespmem:s11+$0x7C10] =	vst v0  }
.Ltmp0:
0x2e: {  	[tilespmem:s11+$0x7C20] =	vst v0;
	(pc) =	sbr.rel @p1 .LBB2_2-.Ltmp0, $4  }
0x2f: {  	[tilespmem:s11+$0x7C30] =	vst v0  }
0x30: {  	[tilespmem:s11+$0x7C40] =	vst v0  }
0x31: {  	[tilespmem:s11+$0x7C50] =	vst v0  }
0x32: {  	[tilespmem:s11+$0x7C60] =	vst v0;
	s11 =	sshra.s32 s12, $0x2;
	s12 =	sadd.s32 $0x200, s12  }
0x33: {  	[tilespmem:s11+$0x7C70] =	vst v0  }
0x34: {  	[tilespmem:s11+$0x7C00] =	vst v0  }
0x35: {  	[tilespmem:s11+$0x7C10] =	vst v0  }
0x36: {  	[tilespmem:s11+$0x7C20] =	vst v0  }
0x37: {  	[tilespmem:s11+$0x7C30] =	vst v0  }
0x38: {  	[tilespmem:s11+$0x7C40] =	vst v0;
	p1 =	sne.s32 s22, $0x1  }
.Ltmp1:
0x39: {  	[tilespmem:s11+$0x7C50] =	vst v0;
	(pc) =	sbr.rel @!p1 .LBB2_5-.Ltmp1, $4  }
0x3a: {  	[tilespmem:s11+$0x7C60] =	vst v0  }
0x3b: {  	[spmem:s24] =	stream.linear.scatter [tilespmem:s4], [sflag:$0x3], $0x2800, $0x38;
	[tilespmem:$0x1F480] =	vst v63  }
0x3c: {  	_ =	swait.ge [sflag:s5], $0x2800  }
0x3d: {  	s11 =	sadd.s32 $0xFFFFFFFF, s22;
	s12 =	smov.u32 s24;
	[sflag:s5] =	ssyncset.done $0x0  }
.LBB2_4:
0x3e: {  	p1 =	sne.s32 s11, $0x1;
	[sflag:s5] =	ssyncadd.s32 $0xFFFFD800;
	s12 =	sadd.s32 $0x28000, s12  }
.Ltmp2:
0x3f: {  	s11 =	sadd.s32 $0xFFFFFFFF, s11;
	(pc) =	sbr.rel @p1 .LBB2_4-.Ltmp2, $4  }
0x40: {  	_ = 	snop  }
0x41: {  	[spmem:s12] =	stream.linear.scatter [tilespmem:s4], [sflag:$0x3], $0x2800, $0x38;
	[tilespmem:$0x1F480] =	vst v63  }
0x42: {  	_ =	swait.ge [sflag:s5], $0x2800  }
0x43: {  	[sflag:s5] =	ssyncset.done $0x0  }
.LBB2_5:
0x44: {  	[sflag:s5] =	ssyncadd.s32 $0xFFFFD800  }
0x45: {  	s11 =	simm.s32 $0x0;
	s12 =	simm.s32 $0x1400;
	[bflag:$0x0] =	sbarrier.arrive $0xFFFF  }
0x46: {  	[tilespmem:s12], [sflag:$0x3] =	stream.linear.gather [hbm4b:s0+s11], $0x2800, $0x38;
	[tilespmem:$0x1F480] =	vst v63  }
0x47: {  	_ =	swait.ge [sflag:s5], $0x2800  }
0x48: {  	[sflag:s5] =	ssyncset.done $0x0  }
0x49: {  	[sflag:s5] =	ssyncadd.s32 $0xFFFFD800  }
0x4a: {  	[tilespmem:s11], [sflag:$0x3] =	stream.linear.gather [hbm4b:s14+s11], $0x1400, $0x38;
	[tilespmem:$0x1F480] =	vst v63  }
0x4b: {  	_ =	swait.ge [sflag:s5], $0x1400  }
0x4c: {  	[sflag:s5] =	ssyncset.done $0x0  }
0x4d: {  	[sflag:s5] =	ssyncadd.s32 $0xFFFFEC00  }
0x4e: {  	[tilespmem:s7], [sflag:$0x1] =	stream.indirect.gather [hbm4b:s17+s6], $0x80, s11, s6, $0xb8;
	[tilespmem:$0x1F480] =	vst v63  }
0x4f: {  	_ = 	snop  }
0x50: {  	[tilespmem:s4], [sflag:$0x2] =	stream.indirect.gather [hbm4b:s17+s6], $0x80, s2, s6, $0xb8;
	[tilespmem:$0x1F480] =	vst v63  }
0x51: {  	_ =	swait.ge [sflag:s8], $0x3E80  }
0x52: {  	[sflag:s8] =	ssyncset.done $0x0  }
0x53: {  	s13 =	simm.s32 $0x1400;
	[sflag:s8] =	ssyncadd.s32 $0xFFFFC180  }
0x54: {  	[spmem:s20] =	stream.indirect.scatter.add.f32 [tilespmem:s7], [sflag:$0x3], $0x80, s13, s6, $0xb8;
	[tilespmem:$0x1F480] =	vst v63  }
0x55: {  	_ =	swait.ge [sflag:s5], $0x3E80  }
0x56: {  	[sflag:s5] =	ssyncset.done $0x0  }
0x57: {  	s12 =	simm.s32 $0x100;
	[sflag:s5] =	ssyncadd.s32 $0xFFFFC180  }
0x58: {  	[tilespmem:s7], [sflag:$0x1] =	stream.indirect.gather [hbm4b:s17+s6], $0x80, s12, s6, $0xb8;
	[tilespmem:$0x1F480] =	vst v63  }
0x59: {  	_ =	swait.ge [sflag:s9], $0x3E80  }
0x5a: {  	[sflag:s9] =	ssyncset.done $0x0  }
0x5b: {  	s13 =	simm.s32 $0x1480;
	[sflag:s9] =	ssyncadd.s32 $0xFFFFC180  }
0x5c: {  	[spmem:s20] =	stream.indirect.scatter.add.f32 [tilespmem:s4], [sflag:$0x3], $0x80, s13, s6, $0xb8;
	[tilespmem:$0x1F480] =	vst v63  }
0x5d: {  	_ =	swait.ge [sflag:s5], $0x3E80  }
0x5e: {  	[sflag:s5] =	ssyncset.done $0x0  }
0x5f: {  	s11 =	simm.s32 $0x400;
	s12 =	simm.s32 $0x180;
	[sflag:s5] =	ssyncadd.s32 $0xFFFFC180  }
.LBB2_6:
0x60: {  	[tilespmem:s4], [sflag:$0x2] =	stream.indirect.gather [hbm4b:s17+s6], $0x80, s12, s6, $0xb8;
	[tilespmem:$0x1F480] =	vst v63  }
0x61: {  	s12 =	smov.u32 s11  }
0x62: {  	p1 =	sne.s32 s11, $0x4800;
	s11 =	sadd.s32 $0x400, s11;
	_ =	swait.ge [sflag:s8], $0x3E80  }
0x63: {  	s12 =	sshra.s32 s12, $0x2;
	[sflag:s8] =	ssyncset.done $0x0  }
0x64: {  	s13 =	sadd.s32 $0x1400, s12;
	[sflag:s8] =	ssyncadd.s32 $0xFFFFC180  }
0x65: {  	[spmem:s20] =	stream.indirect.scatter.add.f32 [tilespmem:s7], [sflag:$0x3], $0x80, s13, s6, $0xb8;
	[tilespmem:$0x1F480] =	vst v63  }
0x66: {  	_ =	swait.ge [sflag:s5], $0x3E80  }
0x67: {  	[sflag:s5] =	ssyncset.done $0x0  }
0x68: {  	s13 =	sadd.s32 $0x100, s12;
	[sflag:s5] =	ssyncadd.s32 $0xFFFFC180  }
0x69: {  	[tilespmem:s7], [sflag:$0x1] =	stream.indirect.gather [hbm4b:s17+s6], $0x80, s13, s6, $0xb8;
	[tilespmem:$0x1F480] =	vst v63  }
0x6a: {  	_ =	swait.ge [sflag:s9], $0x3E80  }
0x6b: {  	[sflag:s9] =	ssyncset.done $0x0  }
.Ltmp3:
0x6c: {  	s13 =	sadd.s32 $0x1480, s12;
	[sflag:s9] =	ssyncadd.s32 $0xFFFFC180;
	(pc) =	sbr.rel @p1 .LBB2_6-.Ltmp3, $4  }
0x6d: {  	[spmem:s20] =	stream.indirect.scatter.add.f32 [tilespmem:s4], [sflag:$0x3], $0x80, s13, s6, $0xb8;
	[tilespmem:$0x1F480] =	vst v63  }
0x6e: {  	_ =	swait.ge [sflag:s5], $0x3E80  }
0x6f: {  	[sflag:s5] =	ssyncset.done $0x0  }
0x70: {  	s12 =	sadd.s32 $0x180, s12;
	[sflag:s5] =	ssyncadd.s32 $0xFFFFC180  }
0x71: {  	[tilespmem:s4], [sflag:$0x2] =	stream.indirect.gather [hbm4b:s17+s6], $0x80, s12, s6, $0xb8;
	[tilespmem:$0x1F480] =	vst v63  }
0x72: {  	_ =	swait.ge [sflag:s8], $0x3E80  }
0x73: {  	[sflag:s8] =	ssyncset.done $0x0  }
0x74: {  	s11 =	simm.s32 $0x2700;
	[sflag:s8] =	ssyncadd.s32 $0xFFFFC180  }
0x75: {  	[spmem:s20] =	stream.indirect.scatter.add.f32 [tilespmem:s7], [sflag:$0x3], $0x80, s11, s6, $0xb8;
	[tilespmem:$0x1F480] =	vst v63  }
0x76: {  	_ =	swait.ge [sflag:s5], $0x3E80  }
0x77: {  	[sflag:s5] =	ssyncset.done $0x0  }
0x78: {  	[sflag:s5] =	ssyncadd.s32 $0xFFFFC180  }
0x79: {  	_ =	swait.ge [sflag:s9], $0x3E80  }
0x7a: {  	[sflag:s9] =	ssyncset.done $0x0  }
0x7b: {  	s12 =	simm.s32 $0x2780;
	[sflag:s9] =	ssyncadd.s32 $0xFFFFC180  }
0x7c: {  	[spmem:s20] =	stream.indirect.scatter.add.f32 [tilespmem:s4], [sflag:$0x3], $0x80, s12, s6, $0xb8;
	[tilespmem:$0x1F480] =	vst v63  }
0x7d: {  	_ =	swait.ge [sflag:s5], $0x3E80  }
0x7e: {  	[sflag:s5] =	ssyncset.done $0x0  }
0x7f: {  	[sflag:s5] =	ssyncadd.s32 $0xFFFFC180  }
0x80: {  	[tilespmem:s1], [sflag:$0x3] =	stream.linear.gather [hbm4b:s3+s1], $0x1400, $0x38;
	[tilespmem:$0x1F480] =	vst v63  }
0x81: {  	_ =	swait.ge [sflag:s5], $0x1400  }
0x82: {  	[sflag:s5] =	ssyncset.done $0x0  }
0x83: {  	[sflag:s5] =	ssyncadd.s32 $0xFFFFEC00  }
0x84: {  	[tilespmem:s7], [sflag:$0x1] =	stream.indirect.gather [hbm4b:s17+s6], $0x80, s1, s6, $0xb8;
	[tilespmem:$0x1F480] =	vst v63  }
0x85: {  	_ = 	snop  }
0x86: {  	[tilespmem:s4], [sflag:$0x2] =	stream.indirect.gather [hbm4b:s17+s6], $0x80, s2, s6, $0xb8;
	[tilespmem:$0x1F480] =	vst v63  }
0x87: {  	_ =	swait.ge [sflag:s8], $0x3E80  }
0x88: {  	[sflag:s8] =	ssyncset.done $0x0  }
0x89: {  	s13 =	simm.s32 $0x2800;
	[sflag:s8] =	ssyncadd.s32 $0xFFFFC180  }
0x8a: {  	[spmem:s20] =	stream.indirect.scatter.add.f32 [tilespmem:s7], [sflag:$0x3], $0x80, s13, s6, $0xb8;
	[tilespmem:$0x1F480] =	vst v63  }
0x8b: {  	_ =	swait.ge [sflag:s5], $0x3E80  }
0x8c: {  	[sflag:s5] =	ssyncset.done $0x0  }
0x8d: {  	s12 =	simm.s32 $0x100;
	[sflag:s5] =	ssyncadd.s32 $0xFFFFC180  }
0x8e: {  	[tilespmem:s7], [sflag:$0x1] =	stream.indirect.gather [hbm4b:s17+s6], $0x80, s12, s6, $0xb8;
	[tilespmem:$0x1F480] =	vst v63  }
0x8f: {  	_ =	swait.ge [sflag:s9], $0x3E80  }
0x90: {  	[sflag:s9] =	ssyncset.done $0x0  }
0x91: {  	s13 =	simm.s32 $0x2880;
	[sflag:s9] =	ssyncadd.s32 $0xFFFFC180  }
0x92: {  	[spmem:s20] =	stream.indirect.scatter.add.f32 [tilespmem:s4], [sflag:$0x3], $0x80, s13, s6, $0xb8;
	[tilespmem:$0x1F480] =	vst v63  }
0x93: {  	_ =	swait.ge [sflag:s5], $0x3E80  }
0x94: {  	[sflag:s5] =	ssyncset.done $0x0  }
0x95: {  	s11 =	simm.s32 $0xFFFFB800;
	s12 =	simm.s32 $0x180;
	[sflag:s5] =	ssyncadd.s32 $0xFFFFC180  }
.LBB2_8:
0x96: {  	[tilespmem:s4], [sflag:$0x2] =	stream.indirect.gather [hbm4b:s17+s6], $0x80, s12, s6, $0xb8;
	[tilespmem:$0x1F480] =	vst v63  }
0x97: {  	s12 =	smov.u32 s11  }
0x98: {  	p1 =	sne.s32 s11, $0xFFFFFC00;
	s11 =	sadd.s32 $0x400, s11;
	_ =	swait.ge [sflag:s8], $0x3E80  }
0x99: {  	s12 =	sshra.s32 s12, $0x2;
	[sflag:s8] =	ssyncset.done $0x0  }
0x9a: {  	s13 =	sadd.s32 $0x3B00, s12;
	[sflag:s8] =	ssyncadd.s32 $0xFFFFC180  }
0x9b: {  	[spmem:s20] =	stream.indirect.scatter.add.f32 [tilespmem:s7], [sflag:$0x3], $0x80, s13, s6, $0xb8;
	[tilespmem:$0x1F480] =	vst v63  }
0x9c: {  	_ =	swait.ge [sflag:s5], $0x3E80  }
0x9d: {  	[sflag:s5] =	ssyncset.done $0x0  }
0x9e: {  	s13 =	sadd.s32 $0x1400, s12;
	[sflag:s5] =	ssyncadd.s32 $0xFFFFC180  }
0x9f: {  	[tilespmem:s7], [sflag:$0x1] =	stream.indirect.gather [hbm4b:s17+s6], $0x80, s13, s6, $0xb8;
	[tilespmem:$0x1F480] =	vst v63  }
0xa0: {  	_ =	swait.ge [sflag:s9], $0x3E80  }
0xa1: {  	[sflag:s9] =	ssyncset.done $0x0  }
.Ltmp4:
0xa2: {  	s13 =	sadd.s32 $0x3B80, s12;
	[sflag:s9] =	ssyncadd.s32 $0xFFFFC180;
	(pc) =	sbr.rel @p1 .LBB2_8-.Ltmp4, $4  }
0xa3: {  	[spmem:s20] =	stream.indirect.scatter.add.f32 [tilespmem:s4], [sflag:$0x3], $0x80, s13, s6, $0xb8;
	[tilespmem:$0x1F480] =	vst v63  }
0xa4: {  	_ =	swait.ge [sflag:s5], $0x3E80  }
0xa5: {  	[sflag:s5] =	ssyncset.done $0x0  }
0xa6: {  	s12 =	sadd.s32 $0x1480, s12;
	[sflag:s5] =	ssyncadd.s32 $0xFFFFC180  }
0xa7: {  	[tilespmem:s4], [sflag:$0x2] =	stream.indirect.gather [hbm4b:s17+s6], $0x80, s12, s6, $0xb8;
	[tilespmem:$0x1F480] =	vst v63  }
0xa8: {  	_ =	swait.ge [sflag:s8], $0x3E80  }
0xa9: {  	[sflag:s8] =	ssyncset.done $0x0  }
0xaa: {  	s11 =	simm.s32 $0x3B00;
	[sflag:s8] =	ssyncadd.s32 $0xFFFFC180  }
0xab: {  	[spmem:s20] =	stream.indirect.scatter.add.f32 [tilespmem:s7], [sflag:$0x3], $0x80, s11, s6, $0xb8;
	[tilespmem:$0x1F480] =	vst v63  }
0xac: {  	_ =	swait.ge [sflag:s5], $0x3E80  }
0xad: {  	[sflag:s5] =	ssyncset.done $0x0  }
0xae: {  	[sflag:s5] =	ssyncadd.s32 $0xFFFFC180  }
0xaf: {  	_ =	swait.ge [sflag:s9], $0x3E80  }
0xb0: {  	[sflag:s9] =	ssyncset.done $0x0  }
0xb1: {  	s12 =	simm.s32 $0x3B80;
	[sflag:s9] =	ssyncadd.s32 $0xFFFFC180  }
0xb2: {  	[spmem:s20] =	stream.indirect.scatter.add.f32 [tilespmem:s4], [sflag:$0x3], $0x80, s12, s6, $0xb8;
	[tilespmem:$0x1F480] =	vst v63  }
0xb3: {  	_ =	swait.ge [sflag:s5], $0x3E80  }
0xb4: {  	[sflag:s5] =	ssyncset.done $0x0  }
0xb5: {  	[sflag:s5] =	ssyncadd.s32 $0xFFFFC180  }
0xb6: {  	[bflag:$0x0] =	sbarrier.arrive $0xFFFF  }
0xb7: {  	[tilespmem:s7], [sflag:$0x3] =	stream.linear.gather [spmem:s24], $0x2800, $0x38;
	[tilespmem:$0x1F480] =	vst v63  }
0xb8: {  	_ =	swait.ge [sflag:s5], $0x2800  }
0xb9: {  	[sflag:s5] =	ssyncset.done $0x0  }
0xba: {  	s13 =	rddreg [dreg:$0x5];
	[sflag:s5] =	ssyncadd.s32 $0xFFFFD800  }
0xbb: {  	[hbm4b:s13+s1] =	stream.linear.scatter [tilespmem:s7], [sflag:$0x1], $0x2800, $0x38;
	[tilespmem:$0x1F480] =	vst v63  }
0xbc: {  	_ = 	snop  }
0xbd: {  	[tilespmem:s4], [sflag:$0x3] =	stream.linear.gather [spmem:s25], $0x2800, $0x38;
	[tilespmem:$0x1F480] =	vst v63  }
0xbe: {  	_ =	swait.ge [sflag:s5], $0x2800  }
0xbf: {  	[sflag:s5] =	ssyncset.done $0x0  }
0xc0: {  	s12 =	rddreg [dreg:$0x6];
	[sflag:s5] =	ssyncadd.s32 $0xFFFFD800  }
0xc1: {  	[hbm4b:s12+s1] =	stream.linear.scatter [tilespmem:s4], [sflag:$0x2], $0x2800, $0x38;
	[tilespmem:$0x1F480] =	vst v63  }
0xc2: {  	_ =	swait.ge [sflag:s9], $0x2800  }
0xc3: {  	[sflag:s9] =	ssyncset.done $0x0  }
0xc4: {  	[sflag:s9] =	ssyncadd.s32 $0xFFFFD800  }
0xc5: {  	_ =	swait.ge [sflag:s8], $0x2800  }
0xc6: {  	[sflag:s8] =	ssyncset.done $0x0  }
0xc7: {  	[sflag:s8] =	ssyncadd.s32 $0xFFFFD800  }
0xc8: {  	[tilespmem:s7], [sflag:$0x3] =	stream.linear.gather [spmem:s26], $0x2800, $0x38;
	[tilespmem:$0x1F480] =	vst v63  }
0xc9: {  	_ =	swait.ge [sflag:s5], $0x2800  }
0xca: {  	[sflag:s5] =	ssyncset.done $0x0  }
0xcb: {  	s13 =	rddreg [dreg:$0x7];
	[sflag:s5] =	ssyncadd.s32 $0xFFFFD800  }
0xcc: {  	[hbm4b:s13+s1] =	stream.linear.scatter [tilespmem:s7], [sflag:$0x1], $0x2800, $0x38;
	[tilespmem:$0x1F480] =	vst v63  }
0xcd: {  	_ = 	snop  }
0xce: {  	[tilespmem:s4], [sflag:$0x3] =	stream.linear.gather [spmem:s28], $0x2800, $0x38;
	[tilespmem:$0x1F480] =	vst v63  }
0xcf: {  	_ =	swait.ge [sflag:s5], $0x2800  }
0xd0: {  	[sflag:s5] =	ssyncset.done $0x0  }
0xd1: {  	s12 =	rddreg [dreg:$0x8];
	[sflag:s5] =	ssyncadd.s32 $0xFFFFD800  }
0xd2: {  	[hbm4b:s12+s1] =	stream.linear.scatter [tilespmem:s4], [sflag:$0x2], $0x2800, $0x38;
	[tilespmem:$0x1F480] =	vst v63  }
0xd3: {  	_ =	swait.ge [sflag:s9], $0x2800  }
0xd4: {  	[sflag:s9] =	ssyncset.done $0x0  }
0xd5: {  	[sflag:s9] =	ssyncadd.s32 $0xFFFFD800  }
0xd6: {  	_ =	swait.ge [sflag:s8], $0x2800  }
0xd7: {  	[sflag:s8] =	ssyncset.done $0x0  }
0xd8: {  	[sflag:s8] =	ssyncadd.s32 $0xFFFFD800  }
0xd9: {  	[tilespmem:s7], [sflag:$0x3] =	stream.linear.gather [spmem:s29], $0x2800, $0x38;
	[tilespmem:$0x1F480] =	vst v63  }
0xda: {  	_ =	swait.ge [sflag:s5], $0x2800  }
0xdb: {  	[sflag:s5] =	ssyncset.done $0x0  }
0xdc: {  	s13 =	rddreg [dreg:$0x9];
	[sflag:s5] =	ssyncadd.s32 $0xFFFFD800  }
0xdd: {  	[hbm4b:s13+s1] =	stream.linear.scatter [tilespmem:s7], [sflag:$0x1], $0x2800, $0x38;
	[tilespmem:$0x1F480] =	vst v63  }
0xde: {  	_ = 	snop  }
0xdf: {  	[tilespmem:s4], [sflag:$0x3] =	stream.linear.gather [spmem:s30], $0x2800, $0x38;
	[tilespmem:$0x1F480] =	vst v63  }
0xe0: {  	_ =	swait.ge [sflag:s5], $0x2800  }
0xe1: {  	[sflag:s5] =	ssyncset.done $0x0  }
0xe2: {  	s12 =	rddreg [dreg:$0xa];
	[sflag:s5] =	ssyncadd.s32 $0xFFFFD800  }
0xe3: {  	[hbm4b:s12+s1] =	stream.linear.scatter [tilespmem:s4], [sflag:$0x2], $0x2800, $0x38;
	[tilespmem:$0x1F480] =	vst v63  }
0xe4: {  	_ =	swait.ge [sflag:s9], $0x2800  }
0xe5: {  	[sflag:s9] =	ssyncset.done $0x0  }
0xe6: {  	[sflag:s9] =	ssyncadd.s32 $0xFFFFD800  }
0xe7: {  	_ =	swait.ge [sflag:s8], $0x2800  }
0xe8: {  	[sflag:s8] =	ssyncset.done $0x0  }
0xe9: {  	[sflag:s8] =	ssyncadd.s32 $0xFFFFD800  }
0xea: {  	[tilespmem:s7], [sflag:$0x3] =	stream.linear.gather [spmem:s31], $0x2800, $0x38;
	[tilespmem:$0x1F480] =	vst v63  }
0xeb: {  	_ =	swait.ge [sflag:s5], $0x2800  }
0xec: {  	[sflag:s5] =	ssyncset.done $0x0  }
0xed: {  	s13 =	rddreg [dreg:$0xb];
	[sflag:s5] =	ssyncadd.s32 $0xFFFFD800  }
0xee: {  	[hbm4b:s13+s1] =	stream.linear.scatter [tilespmem:s7], [sflag:$0x1], $0x2800, $0x38;
	[tilespmem:$0x1F480] =	vst v63  }
0xef: {  	s11 =	simm.s32 @!p0 $0x7C00;
	s12 =	simm.s32 @!p0 $0x3  }
0xf0: {  	[tilespmem:s11], [sflag:$0x3] =	stream.linear.gather @!p0 [spmem:s16], $0x2800, $0x38;
	[tilespmem:$0x1F480] =	vst v63  }
0xf1: {  	_ =	swait.ge @!p0 [sflag:s12], $0x2800  }
0xf2: {  	[sflag:s12] =	ssyncset.done @!p0 $0x0  }
0xf3: {  	s13 =	rddreg [dreg:$0xc];
	[sflag:s12] =	ssyncadd.s32 @!p0 $0xFFFFD800;
	s12 =	simm.s32 @!p0 $0x0  }
0xf4: {  	[hbm4b:s13+s12] =	stream.linear.scatter @!p0 [tilespmem:s11], [sflag:$0x2], $0x2800, $0x38;
	[tilespmem:$0x1F480] =	vst v63  }
0xf5: {  	s11 =	simm.s32 @!p0 $0x2  }
0xf6: {  	_ =	swait.ge @!p0 [sflag:s11], $0x2800  }
0xf7: {  	[sflag:s11] =	ssyncset.done @!p0 $0x0  }
0xf8: {  	[sflag:s11] =	ssyncadd.s32 @!p0 $0xFFFFD800  }
0xf9: {  	_ =	swait.ge [sflag:s8], $0x2800  }
0xfa: {  	[sflag:s8] =	ssyncset.done $0x0  }
0xfb: {  	[sflag:s8] =	ssyncadd.s32 $0xFFFFD800  }
0xfc: {  	s12 =	simm.s32 $0x200;
	s11 =	simm.s32 $0x0;
	[bflag:$0x0] =	sbarrier.arrive $0xFFFF  }
.LBB2_10:
0xfd: {  	p1 =	sne.s32 s12, $0xF800;
	[tilespmem:s11+$0x3C70] =	vst v1  }
0xfe: {  	[tilespmem:s11+$0x3C00] =	vst v1  }
0xff: {  	[tilespmem:s11+$0x3C10] =	vst v1  }
.Ltmp5:
0x100: {  	[tilespmem:s11+$0x3C20] =	vst v1;
	(pc) =	sbr.rel @p1 .LBB2_10-.Ltmp5, $4  }
0x101: {  	[tilespmem:s11+$0x3C30] =	vst v1  }
0x102: {  	[tilespmem:s11+$0x3C40] =	vst v1  }
0x103: {  	[tilespmem:s11+$0x3C50] =	vst v1  }
0x104: {  	[tilespmem:s11+$0x3C60] =	vst v1;
	s11 =	sshra.s32 s12, $0x2;
	s12 =	sadd.s32 $0x200, s12  }
0x105: {  	[tilespmem:s11+$0x3C70] =	vst v1  }
0x106: {  	[tilespmem:s11+$0x3C00] =	vst v1  }
0x107: {  	[tilespmem:s11+$0x3C10] =	vst v1  }
0x108: {  	[tilespmem:s11+$0x3C20] =	vst v1  }
0x109: {  	[tilespmem:s11+$0x3C30] =	vst v1  }
0x10a: {  	[tilespmem:s11+$0x3C40] =	vst v1  }
0x10b: {  	[tilespmem:s11+$0x3C50] =	vst v1  }
0x10c: {  	[tilespmem:s11+$0x3C60] =	vst v1;
	s13 =	simm.s32 $0x1400  }
0x10d: {  	[spmem:s20] =	stream.indirect.scatter.add.f32 [tilespmem:s7], [sflag:$0x3], $0x80, s13, s6, $0xb8;
	[tilespmem:$0x1F480] =	vst v63  }
0x10e: {  	s11 =	simm.s32 $0x200;
	_ =	swait.ge [sflag:s5], $0x3E80  }
.LBB2_12:
0x10f: {  	s12 =	sshra.s32 s11, $0x2;
	[sflag:s5] =	ssyncset.done $0x0;
	p1 =	sne.s32 s11, $0x9E00  }
.Ltmp6:
0x110: {  	s12 =	sadd.s32 $0x1400, s12;
	[sflag:s5] =	ssyncadd.s32 $0xFFFFC180;
	(pc) =	sbr.rel @p1 .LBB2_12-.Ltmp6, $3  }
0x111: {  	[spmem:s20] =	stream.indirect.scatter.add.f32 [tilespmem:s7], [sflag:$0x3], $0x80, s12, s6, $0xb8;
	[tilespmem:$0x1F480] =	vst v63  }
0x112: {  	s11 =	sadd.s32 $0x200, s11;
	_ =	sdelay $0x1  }
0x113: {  	_ =	swait.ge [sflag:s5], $0x3E80  }
0x114: {  	[sflag:s5] =	ssyncset.done $0x0  }
0x115: {  	[sflag:s5] =	ssyncadd.s32 $0xFFFFC180  }
0x116: {  	[bflag:$0x0] =	sbarrier.arrive $0xFFFF  }
0x117: {  	[tilespmem:s7], [sflag:$0x3] =	stream.linear.gather [spmem:s24], $0x2800, $0x38;
	[tilespmem:$0x1F480] =	vst v63  }
0x118: {  	_ =	swait.ge [sflag:s5], $0x2800  }
0x119: {  	[sflag:s5] =	ssyncset.done $0x0  }
0x11a: {  	s11 =	rddreg [dreg:$0xd];
	[sflag:s5] =	ssyncadd.s32 $0xFFFFD800  }
0x11b: {  	[hbm4b:s11+s1] =	stream.linear.scatter [tilespmem:s7], [sflag:$0x1], $0x2800, $0x38;
	[tilespmem:$0x1F480] =	vst v63  }
0x11c: {  	_ = 	snop  }
0x11d: {  	[tilespmem:s4], [sflag:$0x3] =	stream.linear.gather [spmem:s25], $0x2800, $0x38;
	[tilespmem:$0x1F480] =	vst v63  }
0x11e: {  	_ =	swait.ge [sflag:s5], $0x2800  }
0x11f: {  	[sflag:s5] =	ssyncset.done $0x0  }
0x120: {  	s13 =	rddreg [dreg:$0xe];
	[sflag:s5] =	ssyncadd.s32 $0xFFFFD800  }
0x121: {  	[hbm4b:s13+s1] =	stream.linear.scatter [tilespmem:s4], [sflag:$0x2], $0x2800, $0x38;
	[tilespmem:$0x1F480] =	vst v63  }
0x122: {  	_ =	swait.ge [sflag:s9], $0x2800  }
0x123: {  	[sflag:s9] =	ssyncset.done $0x0  }
0x124: {  	[sflag:s9] =	ssyncadd.s32 $0xFFFFD800  }
0x125: {  	_ =	swait.ge [sflag:s8], $0x2800  }
0x126: {  	[sflag:s8] =	ssyncset.done $0x0  }
0x127: {  	[sflag:s8] =	ssyncadd.s32 $0xFFFFD800  }
0x128: {  	[tilespmem:s7], [sflag:$0x3] =	stream.linear.gather [spmem:s26], $0x2800, $0x38;
	[tilespmem:$0x1F480] =	vst v63  }
0x129: {  	_ =	swait.ge [sflag:s5], $0x2800  }
0x12a: {  	[sflag:s5] =	ssyncset.done $0x0  }
0x12b: {  	s12 =	rddreg [dreg:$0xf];
	[sflag:s5] =	ssyncadd.s32 $0xFFFFD800  }
0x12c: {  	[hbm4b:s12+s1] =	stream.linear.scatter [tilespmem:s7], [sflag:$0x1], $0x2800, $0x38;
	[tilespmem:$0x1F480] =	vst v63  }
0x12d: {  	_ = 	snop  }
0x12e: {  	[tilespmem:s4], [sflag:$0x3] =	stream.linear.gather [spmem:s28], $0x2800, $0x38;
	[tilespmem:$0x1F480] =	vst v63  }
0x12f: {  	_ =	swait.ge [sflag:s5], $0x2800  }
0x130: {  	[sflag:s5] =	ssyncset.done $0x0  }
0x131: {  	s13 =	rddreg [dreg:$0x10];
	[sflag:s5] =	ssyncadd.s32 $0xFFFFD800  }
0x132: {  	[hbm4b:s13+s1] =	stream.linear.scatter [tilespmem:s4], [sflag:$0x2], $0x2800, $0x38;
	[tilespmem:$0x1F480] =	vst v63  }
0x133: {  	_ =	swait.ge [sflag:s9], $0x2800  }
0x134: {  	[sflag:s9] =	ssyncset.done $0x0  }
0x135: {  	[sflag:s9] =	ssyncadd.s32 $0xFFFFD800  }
0x136: {  	_ =	swait.ge [sflag:s8], $0x2800  }
0x137: {  	[sflag:s8] =	ssyncset.done $0x0  }
0x138: {  	[sflag:s8] =	ssyncadd.s32 $0xFFFFD800  }
0x139: {  	[tilespmem:s7], [sflag:$0x3] =	stream.linear.gather [spmem:s29], $0x2800, $0x38;
	[tilespmem:$0x1F480] =	vst v63  }
0x13a: {  	_ =	swait.ge [sflag:s5], $0x2800  }
0x13b: {  	[sflag:s5] =	ssyncset.done $0x0  }
0x13c: {  	[sflag:s5] =	ssyncadd.s32 $0xFFFFD800  }
0x13d: {  	[hbm4b:s15+s1] =	stream.linear.scatter [tilespmem:s7], [sflag:$0x1], $0x2800, $0x38;
	[tilespmem:$0x1F480] =	vst v63  }
0x13e: {  	_ = 	snop  }
0x13f: {  	[tilespmem:s4], [sflag:$0x3] =	stream.linear.gather [spmem:s30], $0x2800, $0x38;
	[tilespmem:$0x1F480] =	vst v63  }
0x140: {  	_ =	swait.ge [sflag:s5], $0x2800  }
0x141: {  	[sflag:s5] =	ssyncset.done $0x0  }
0x142: {  	[sflag:s5] =	ssyncadd.s32 $0xFFFFD800  }
0x143: {  	[hbm4b:s18+s1] =	stream.linear.scatter [tilespmem:s4], [sflag:$0x2], $0x2800, $0x38;
	[tilespmem:$0x1F480] =	vst v63  }
0x144: {  	_ =	swait.ge [sflag:s9], $0x2800  }
0x145: {  	[sflag:s9] =	ssyncset.done $0x0  }
0x146: {  	[sflag:s9] =	ssyncadd.s32 $0xFFFFD800  }
0x147: {  	_ =	swait.ge [sflag:s8], $0x2800  }
0x148: {  	[sflag:s8] =	ssyncset.done $0x0  }
0x149: {  	[sflag:s8] =	ssyncadd.s32 $0xFFFFD800  }
0x14a: {  	[tilespmem:s7], [sflag:$0x3] =	stream.linear.gather [spmem:s31], $0x2800, $0x38;
	[tilespmem:$0x1F480] =	vst v63  }
0x14b: {  	_ =	swait.ge [sflag:s5], $0x2800  }
0x14c: {  	[sflag:s5] =	ssyncset.done $0x0  }
0x14d: {  	[sflag:s5] =	ssyncadd.s32 $0xFFFFD800  }
0x14e: {  	[hbm4b:s19+s1] =	stream.linear.scatter [tilespmem:s7], [sflag:$0x1], $0x2800, $0x38;
	[tilespmem:$0x1F480] =	vst v63  }
0x14f: {  	s11 =	simm.s32 @!p0 $0x7C00;
	s12 =	simm.s32 @!p0 $0x3  }
0x150: {  	[tilespmem:s11], [sflag:$0x3] =	stream.linear.gather @!p0 [spmem:s16], $0x2800, $0x38;
	[tilespmem:$0x1F480] =	vst v63  }
0x151: {  	_ =	swait.ge @!p0 [sflag:s12], $0x2800  }
0x152: {  	[sflag:s12] =	ssyncset.done @!p0 $0x0  }
0x153: {  	[sflag:s12] =	ssyncadd.s32 @!p0 $0xFFFFD800;
	s12 =	simm.s32 @!p0 $0x0  }
0x154: {  	[hbm4b:s21+s12] =	stream.linear.scatter @!p0 [tilespmem:s11], [sflag:$0x2], $0x2800, $0x38;
	[tilespmem:$0x1F480] =	vst v63  }
0x155: {  	s10 =	sadd.s32 $0x1, s10;
	s11 =	simm.s32 @!p0 $0x2  }
0x156: {  	p1 =	sne.s32 s10, s23;
	_ =	swait.ge @!p0 [sflag:s11], $0x2800  }
.Ltmp7:
0x157: {  	[sflag:s11] =	ssyncset.done @!p0 $0x0;
	(pc) =	sbr.rel @p1 .LBB2_1-.Ltmp7, $4  }
0x158: {  	[sflag:s11] =	ssyncadd.s32 @!p0 $0xFFFFD800  }
0x159: {  	_ =	swait.ge [sflag:s8], $0x2800  }
0x15a: {  	[sflag:s8] =	ssyncset.done $0x0  }
0x15b: {  	[sflag:s8] =	ssyncadd.s32 $0xFFFFD800  }
0x15c: {  	_ =	sfence.sel $0x180000  }
0x15d: {  	[bflag:$0x0] =	sbarrier.arrive $0xFFFF  }
0x15e: {  	_ =	strace $0x90000047  }
0x15f: {  	s0 =	stileid.u32;
	[bflag:$0x2] =	sbarrier.arrive $0xFFFF  }
0x160: {  	p0 =	sne.s32 s0, $0x0;
	s0 =	rddreg [dreg:$0x4]  }
0x161: {  	s0 =	sadd.s32 @!p0 $0x100000, s0  }
0x162: {  	[sflag:s0] =	ssyncadd.tile.s32 @!p0 $0x1;
	_ =	shalt  }
.Lfunc_end2:
_tile_overlayer_lowered:
.L_overlay_start_2:
0x163: {  	(tag) =	ssettag $0x2  }
0x164: {  	s0 =	rddreg [dreg:$0x0];
	s2 =	stileid.u32  }
0x165: {  	s1 =	rddreg [dreg:$0x1];
	p0 =	sne.s32 s2, $0x0  }
0x166: {  	s3 =	rddreg [dreg:$0x2];
	[bflag:$0x3] =	sbarrier.arrive $0xFFFF;
	s2 =	simm.s32 @!p0 $0x1C03  }
0x167: {  	[timem:s3], [sflag:s2] =	dma.local @!p0 [hbm:s0], s1  }
0x168: {  	s0 =	simm.s32 @!p0 $0x3  }
0x169: {  	_ =	swait.ge @!p0 [sflag:s0], s1  }
0x16a: {  	s1 =	ssub.s32 @!p0 $0x0, s1;
	[sflag:s0] =	ssyncset.done @!p0 $0x0  }
0x16b: {  	[sflag:s0] =	ssyncadd.s32 @!p0 s1  }
0x16c: {  	[bflag:$0x3] =	sbarrier.arrive $0xFFFF  }
0x16d: {  	_ =	shalt  }

</sc_bundles>
